<compile_context>
chip_gen: v7x
topology: tpu7x:2x2x1
jax: 0.10.2.dev20260603
libtpu: 0.0.44.dev20260713+nightly
codegen_flags: <defaults>
</compile_context>

<pallas_src>
import functools

import jax
import jax.numpy as jnp
from jax import lax
from jax.experimental import pallas as pl
from jax.experimental.pallas import tpu as pltpu
from jax.experimental.pallas import tpu_sc as plsc

_SC_CH = 16384
_SC_UNIT = 524288
_SC_UNITS = 1

_TC_CHUNK = 1048576
_TC_SUB = 16384
_TC_ROWS = _TC_SUB // 128

_LP = (3.51102136e-06, 0.999792362, -0.496977431, 0.314589174,
       -0.188780824, 0.0817256453, -0.0172077992)


def _log1p_poly(e):
    acc = jnp.full_like(e, _LP[6])
    for coef in _LP[5::-1]:
        acc = acc * e + coef
    return acc


def _masked_bce(x, t, log1p_fn):
    tf = t.astype(jnp.float32)
    zf = jnp.maximum(tf, 0.0)
    mf = jnp.minimum(tf + 1.0, 1.0)
    e = jnp.exp(-jnp.abs(x))
    sp = jnp.maximum(x, 0.0) + log1p_fn(e)
    return mf * sp - x * zf, mf


def _make_sc_loss(n_skip, n_sc):
    info = plsc.get_sparse_core_info()
    nc, ns = info.num_cores, info.num_subcores
    nw = nc * ns
    per_w = n_sc // nw
    n_ch = per_w // _SC_CH

    mesh = plsc.VectorSubcoreMesh(core_axis_name="c", subcore_axis_name="s")

    @functools.partial(
        pl.kernel, mesh=mesh,
        out_type=jax.ShapeDtypeStruct((2, nw, 16), jnp.float32),
        scratch_types=[
            pltpu.VMEM((2, _SC_CH), jnp.float32),
            pltpu.VMEM((2, _SC_CH), jnp.int32),
            pltpu.VMEM((2, 16), jnp.float32),
            pltpu.SemaphoreType.DMA,
            pltpu.SemaphoreType.DMA,
            pltpu.SemaphoreType.DMA,
            pltpu.SemaphoreType.DMA,
        ],
    )
    def sc_loss(x_hbm, t_hbm, out_hbm, x_v, t_v, part_v, sx0, sx1, st0, st1):
        wid = lax.axis_index("s") * nc + lax.axis_index("c")
        base = n_skip + wid * per_w
        sx = (sx0, sx1)
        st = (st0, st1)

        def start(ci):
            b = ci % 2
            span = pl.ds(base + ci * _SC_CH, _SC_CH)
            hx = pltpu.async_copy(x_hbm.at[span], x_v.at[b], sx[b])
            ht = pltpu.async_copy(t_hbm.at[span], t_v.at[b], st[b])
            return hx, ht

        handles = {0: start(0)}
        z = jnp.zeros((16,), jnp.float32)
        carry = (z, z, z, z)
        for ci in range(n_ch):
            if ci + 1 < n_ch:
                handles[ci + 1] = start(ci + 1)
            hx, ht = handles.pop(ci)
            hx.wait()
            ht.wait()
            b = ci % 2
            xb = x_v.at[b]
            tb = t_v.at[b]

            def vec_body(j, sc4, xb=xb, tb=tb):
                sa, ca, sb, cb = sc4
                x0 = xb[pl.ds(j * 32, 16)]
                t0 = tb[pl.ds(j * 32, 16)]
                x1 = xb[pl.ds(j * 32 + 16, 16)]
                t1 = tb[pl.ds(j * 32 + 16, 16)]
                ds0, dc0 = _masked_bce(x0, t0, _log1p_poly)
                ds1, dc1 = _masked_bce(x1, t1, _log1p_poly)
                return sa + ds0, ca + dc0, sb + ds1, cb + dc1

            carry = lax.fori_loop(0, _SC_CH // 32, vec_body, carry, unroll=8)

        sa, ca, sb, cb = carry
        part_v[0] = sa + sb
        part_v[1] = ca + cb
        pltpu.sync_copy(part_v.at[0], out_hbm.at[0, wid])
        pltpu.sync_copy(part_v.at[1], out_hbm.at[1, wid])

    return sc_loss


def _tc_body(x_ref, t_ref, out_ref, acc_ref):
    i = pl.program_id(0)

    @pl.when(i == 0)
    def _init():
        acc_ref[...] = jnp.zeros_like(acc_ref)

    def step(j, carry):
        s, c = carry
        x = x_ref[pl.ds(j * _TC_SUB, _TC_SUB)].reshape(_TC_ROWS, 128)
        t = t_ref[pl.ds(j * _TC_SUB, _TC_SUB)].reshape(_TC_ROWS, 128)
        ds, dc = _masked_bce(x, t, jnp.log1p)
        return s + ds, c + dc

    init = (jnp.zeros((_TC_ROWS, 128), jnp.float32),
            jnp.zeros((_TC_ROWS, 128), jnp.float32))
    s, c = jax.lax.fori_loop(0, _TC_CHUNK // _TC_SUB, step, init, unroll=2)
    acc_ref[0] += s
    acc_ref[1] += c

    @pl.when(i == pl.num_programs(0) - 1)
    def _fin():
        out_ref[0] = jnp.sum(acc_ref[0])
        out_ref[1] = jnp.sum(acc_ref[1])


def _tc_loss(output, target, n_tc):
    grid = n_tc // _TC_CHUNK
    return pl.pallas_call(
        _tc_body,
        grid=(grid,),
        in_specs=[
            pl.BlockSpec((_TC_CHUNK,), lambda i: (i,)),
            pl.BlockSpec((_TC_CHUNK,), lambda i: (i,)),
        ],
        out_specs=pl.BlockSpec(memory_space=pltpu.SMEM),
        out_shape=jax.ShapeDtypeStruct((2,), jnp.float32),
        scratch_shapes=[pltpu.VMEM((2, _TC_ROWS, 128), jnp.float32)],
    )(output, target)


def kernel(output, target):
    n = output.shape[0]
    n_sc = _SC_UNITS * _SC_UNIT
    n_tc = n - n_sc
    tc_parts = _tc_loss(output, target, n_tc)
    if n_sc:
        sc_parts = _make_sc_loss(n_tc, n_sc)(output, target)
        s = tc_parts[0] + jnp.sum(sc_parts[0])
        c = tc_parts[1] + jnp.sum(sc_parts[1])
    else:
        s, c = tc_parts[0], tc_parts[1]
    return s / c

# --- scband reference (transcript-rebuilt; emitter-appended) ---
"""Pipeline reference for scband-bcewith-logits-loss-and-ignore-index-27530740367370 (READ-ONLY COPY).

The authoritative reference and input builder live on the scoring server;
editing this copy changes nothing except your own understanding.
"""

import jax, jax.numpy as jnp
import numpy as np

N = 8388608

def setup_inputs(seed: int = 0) -> dict:
    key = jax.random.key(seed)
    k1, k2 = jax.random.split(key)
    output = jax.random.normal(k1, (N,), dtype=jnp.float32)
    t = jax.random.randint(k2, (N,), 0, 3, dtype=jnp.int32)
    # map value 2 -> ignore_index (-1), leaving targets in {0, 1, -1}
    target = jnp.where(t == 2, jnp.int32(-1), t)
    return {"output": output, "target": target}

def reference(output, target):
    ignore_index = -1
    # retain_indices = nonzero(target != ignore_index); equivalent masked-mean
    mask = (target != ignore_index)
    z = target.astype(jnp.float32)
    # numerically-stable BCEWithLogits per element:
    # max(x,0) - x*z + log(1 + exp(-|x|))
    per_elt = jnp.maximum(output, 0.0) - output * z + jnp.log1p(jnp.exp(-jnp.abs(output)))
    retained = jnp.sum(mask.astype(jnp.float32))
    loss = jnp.sum(jnp.where(mask, per_elt, 0.0)) / retained
    return loss

if __name__ == "__main__":
    import jax
    _d = setup_inputs()
    print(jax.jit(kernel)(*tuple(_d.values())))

</pallas_src>

<mosaic_0001>
#map = affine_map<(d0, d1) -> (0)>
#map1 = affine_map<(d0, d1) -> (0, 0, 0)>
module attributes {stable_mosaic.version = 14 : i64} {
  func.func @sc_loss(%arg0: i32, %arg1: i32, %arg2: memref<8388608xf32, #tpu.memory_space<hbm>>, %arg3: memref<8388608xi32, #tpu.memory_space<hbm>>, %arg4: memref<2x32x16xf32, #tpu.memory_space<hbm>>, %arg5: memref<2x16384xf32, #tpu.memory_space<vmem>>, %arg6: memref<2x16384xi32, #tpu.memory_space<vmem>>, %arg7: memref<2x16xf32, #tpu.memory_space<vmem>>, %arg8: memref<!tpu.dma_semaphore, #tpu.memory_space<semaphore_mem>>, %arg9: memref<!tpu.dma_semaphore, #tpu.memory_space<semaphore_mem>>, %arg10: memref<!tpu.dma_semaphore, #tpu.memory_space<semaphore_mem>>, %arg11: memref<!tpu.dma_semaphore, #tpu.memory_space<semaphore_mem>>) attributes {dimension_semantics = [#tpu.dimension_semantics<core_parallel>, #tpu.dimension_semantics<subcore_parallel>], iteration_bounds = array<i64: 2, 16>, scalar_prefetch = 0 : i64, scratch_operands = 7 : i64, tpu.core_type = #tpu.core_type<sc_vector_subcore>, window_params = [{transform_indices = #map}, {transform_indices = #map}, {transform_indices = #map1}]} {
    %mul3A = arith.constant 2 : i32
    %mul3A_0 = arith.muli %arg1, %mul3A : i32
    %add3A = arith.addi %mul3A_0, %arg0 : i32
    %mul3A_1 = arith.constant 16384 : i32
    %mul3A_2 = arith.muli %add3A, %mul3A_1 : i32
    %add3A_3 = arith.constant 7864320 : i32
    %add3A_4 = arith.addi %add3A_3, %mul3A_2 : i32
    %add3A_5 = arith.constant 0 : i32
    %add3A_6 = arith.addi %add3A_4, %add3A_5 : i32
    %dma_start3A = arith.constant 0 : i32
    %dma_start3A_7 = arith.constant 0 : i32
    %dma_start3A_8 = tpu.memref_slice %arg5[%dma_start3A, %dma_start3A_7] : memref<2x16384xf32, #tpu.memory_space<vmem>> -> memref<1x16384xf32, #tpu.memory_space<vmem>>
    %dma_start3A_9 = tpu.memref_squeeze %dma_start3A_8 : memref<1x16384xf32, #tpu.memory_space<vmem>> -> memref<16384xf32, #tpu.memory_space<vmem>>
    %dma_start3A_10 = tpu.memref_slice %arg2[%add3A_6] : memref<8388608xf32, #tpu.memory_space<hbm>> -> memref<16384xf32, #tpu.memory_space<hbm>>
    %dma_start3A_11 = arith.constant 0 : i32
    %dma_start3A_12 = tpu.memref_slice %arg5[%dma_start3A, %dma_start3A_11] : memref<2x16384xf32, #tpu.memory_space<vmem>> -> memref<1x16384xf32, #tpu.memory_space<vmem>>
    %dma_start3A_13 = tpu.memref_squeeze %dma_start3A_12 : memref<1x16384xf32, #tpu.memory_space<vmem>> -> memref<16384xf32, #tpu.memory_space<vmem>>
    %dma_start3A_14 = tpu.memref_slice %arg2[%add3A_6] : memref<8388608xf32, #tpu.memory_space<hbm>> -> memref<16384xf32, #tpu.memory_space<hbm>>
    tpu.enqueue_dma source(%dma_start3A_14 : memref<16384xf32, #tpu.memory_space<hbm>>) target(%dma_start3A_13 : memref<16384xf32, #tpu.memory_space<vmem>>) target_semaphore(%arg8 : memref<!tpu.dma_semaphore, #tpu.memory_space<semaphore_mem>>)
    %dma_start3A_15 = arith.constant 0 : i32
    %dma_start3A_16 = arith.constant 0 : i32
    %dma_start3A_17 = tpu.memref_slice %arg6[%dma_start3A_15, %dma_start3A_16] : memref<2x16384xi32, #tpu.memory_space<vmem>> -> memref<1x16384xi32, #tpu.memory_space<vmem>>
    %dma_start3A_18 = tpu.memref_squeeze %dma_start3A_17 : memref<1x16384xi32, #tpu.memory_space<vmem>> -> memref<16384xi32, #tpu.memory_space<vmem>>
    %dma_start3A_19 = tpu.memref_slice %arg3[%add3A_6] : memref<8388608xi32, #tpu.memory_space<hbm>> -> memref<16384xi32, #tpu.memory_space<hbm>>
    %dma_start3A_20 = arith.constant 0 : i32
    %dma_start3A_21 = tpu.memref_slice %arg6[%dma_start3A_15, %dma_start3A_20] : memref<2x16384xi32, #tpu.memory_space<vmem>> -> memref<1x16384xi32, #tpu.memory_space<vmem>>
    %dma_start3A_22 = tpu.memref_squeeze %dma_start3A_21 : memref<1x16384xi32, #tpu.memory_space<vmem>> -> memref<16384xi32, #tpu.memory_space<vmem>>
    %dma_start3A_23 = tpu.memref_slice %arg3[%add3A_6] : memref<8388608xi32, #tpu.memory_space<hbm>> -> memref<16384xi32, #tpu.memory_space<hbm>>
    tpu.enqueue_dma source(%dma_start3A_23 : memref<16384xi32, #tpu.memory_space<hbm>>) target(%dma_start3A_22 : memref<16384xi32, #tpu.memory_space<vmem>>) target_semaphore(%arg10 : memref<!tpu.dma_semaphore, #tpu.memory_space<semaphore_mem>>)
    %broadcast_in_dim3A = arith.constant 0.000000e+00 : f32
    %broadcast_in_dim3A_24 = vector.broadcast %broadcast_in_dim3A : f32 to vector<16xf32>
    %dma_wait3A = arith.constant 0 : i32
    %dma_wait3A_25 = arith.constant 0 : i32
    %dma_wait3A_26 = tpu.memref_slice %arg5[%dma_wait3A, %dma_wait3A_25] : memref<2x16384xf32, #tpu.memory_space<vmem>> -> memref<1x16384xf32, #tpu.memory_space<vmem>>
    %dma_wait3A_27 = tpu.memref_squeeze %dma_wait3A_26 : memref<1x16384xf32, #tpu.memory_space<vmem>> -> memref<16384xf32, #tpu.memory_space<vmem>>
    %dma_wait3A_28 = tpu.memref_slice %arg2[%add3A_6] : memref<8388608xf32, #tpu.memory_space<hbm>> -> memref<16384xf32, #tpu.memory_space<hbm>>
    %dma_wait3A_29 = arith.constant 0 : i32
    %dma_wait3A_30 = tpu.memref_slice %arg5[%dma_wait3A, %dma_wait3A_29] : memref<2x16384xf32, #tpu.memory_space<vmem>> -> memref<1x16384xf32, #tpu.memory_space<vmem>>
    %dma_wait3A_31 = tpu.memref_squeeze %dma_wait3A_30 : memref<1x16384xf32, #tpu.memory_space<vmem>> -> memref<16384xf32, #tpu.memory_space<vmem>>
    %dma_wait3A_32 = tpu.memref_slice %arg2[%add3A_6] : memref<8388608xf32, #tpu.memory_space<hbm>> -> memref<16384xf32, #tpu.memory_space<hbm>>
    tpu.wait_dma2 semaphore(%arg8 : memref<!tpu.dma_semaphore, #tpu.memory_space<semaphore_mem>>) src(%dma_wait3A_32 : memref<16384xf32, #tpu.memory_space<hbm>>) dst(%dma_wait3A_31 : memref<16384xf32, #tpu.memory_space<vmem>>)
    %dma_wait3A_33 = arith.constant 0 : i32
    %dma_wait3A_34 = arith.constant 0 : i32
    %dma_wait3A_35 = tpu.memref_slice %arg6[%dma_wait3A_33, %dma_wait3A_34] : memref<2x16384xi32, #tpu.memory_space<vmem>> -> memref<1x16384xi32, #tpu.memory_space<vmem>>
    %dma_wait3A_36 = tpu.memref_squeeze %dma_wait3A_35 : memref<1x16384xi32, #tpu.memory_space<vmem>> -> memref<16384xi32, #tpu.memory_space<vmem>>
    %dma_wait3A_37 = tpu.memref_slice %arg3[%add3A_6] : memref<8388608xi32, #tpu.memory_space<hbm>> -> memref<16384xi32, #tpu.memory_space<hbm>>
    %dma_wait3A_38 = arith.constant 0 : i32
    %dma_wait3A_39 = tpu.memref_slice %arg6[%dma_wait3A_33, %dma_wait3A_38] : memref<2x16384xi32, #tpu.memory_space<vmem>> -> memref<1x16384xi32, #tpu.memory_space<vmem>>
    %dma_wait3A_40 = tpu.memref_squeeze %dma_wait3A_39 : memref<1x16384xi32, #tpu.memory_space<vmem>> -> memref<16384xi32, #tpu.memory_space<vmem>>
    %dma_wait3A_41 = tpu.memref_slice %arg3[%add3A_6] : memref<8388608xi32, #tpu.memory_space<hbm>> -> memref<16384xi32, #tpu.memory_space<hbm>>
    tpu.wait_dma2 semaphore(%arg10 : memref<!tpu.dma_semaphore, #tpu.memory_space<semaphore_mem>>) src(%dma_wait3A_41 : memref<16384xi32, #tpu.memory_space<hbm>>) dst(%dma_wait3A_40 : memref<16384xi32, #tpu.memory_space<vmem>>)
    %scan3A = arith.constant 0 : i32
    %scan3A_42 = arith.constant 0 : i32
    %scan3A_43 = arith.constant 0 : i32
    %scan3A_44 = arith.constant 512 : i32
    %scan3A_45 = arith.addi %scan3A_43, %scan3A_44 : i32
    %scan3A_46 = arith.constant 8 : i32
    %scan3A_47:4 = scf.for %scan3A_65 = %scan3A_43 to %scan3A_45 step %scan3A_46 iter_args(%scan3A_66 = %broadcast_in_dim3A_24, %scan3A_67 = %broadcast_in_dim3A_24, %scan3A_68 = %broadcast_in_dim3A_24, %scan3A_69 = %broadcast_in_dim3A_24) -> (vector<16xf32>, vector<16xf32>, vector<16xf32>, vector<16xf32>)  : i32 {
      %mul3A_70 = arith.constant 32 : i32
      %mul3A_71 = arith.muli %scan3A_65, %mul3A_70 : i32
      %get3A = arith.constant 0 : i32
      %get3A_72 = tpu.memref_slice %arg5[%scan3A, %get3A] : memref<2x16384xf32, #tpu.memory_space<vmem>> -> memref<1x16384xf32, #tpu.memory_space<vmem>>
      %get3A_73 = tpu.memref_squeeze %get3A_72 : memref<1x16384xf32, #tpu.memory_space<vmem>> -> memref<16384xf32, #tpu.memory_space<vmem>>
      %get3A_74 = arith.index_cast %mul3A_71 : i32 to index
      %get3A_75 = tpu.vector_load %get3A_73[%get3A_74] {strides = array<i32>} : memref<16384xf32, #tpu.memory_space<vmem>>, vector<16xf32>,
      %get3A_76 = vector.shape_cast %get3A_75 : vector<16xf32> to vector<16xf32>
      %mul3A_77 = arith.constant 32 : i32
      %mul3A_78 = arith.muli %scan3A_65, %mul3A_77 : i32
      %get3A_79 = arith.constant 0 : i32
      %get3A_80 = tpu.memref_slice %arg6[%scan3A_42, %get3A_79] : memref<2x16384xi32, #tpu.memory_space<vmem>> -> memref<1x16384xi32, #tpu.memory_space<vmem>>
      %get3A_81 = tpu.memref_squeeze %get3A_80 : memref<1x16384xi32, #tpu.memory_space<vmem>> -> memref<16384xi32, #tpu.memory_space<vmem>>
      %get3A_82 = arith.index_cast %mul3A_78 : i32 to index
      %get3A_83 = tpu.vector_load %get3A_81[%get3A_82] {strides = array<i32>} : memref<16384xi32, #tpu.memory_space<vmem>>, vector<16xi32>,
      %get3A_84 = vector.shape_cast %get3A_83 : vector<16xi32> to vector<16xi32>
      %mul3A_85 = arith.constant 32 : i32
      %mul3A_86 = arith.muli %scan3A_65, %mul3A_85 : i32
      %add3A_87 = arith.constant 16 : i32
      %add3A_88 = arith.addi %mul3A_86, %add3A_87 : i32
      %get3A_89 = arith.constant 0 : i32
      %get3A_90 = tpu.memref_slice %arg5[%scan3A, %get3A_89] : memref<2x16384xf32, #tpu.memory_space<vmem>> -> memref<1x16384xf32, #tpu.memory_space<vmem>>
      %get3A_91 = tpu.memref_squeeze %get3A_90 : memref<1x16384xf32, #tpu.memory_space<vmem>> -> memref<16384xf32, #tpu.memory_space<vmem>>
      %get3A_92 = arith.index_cast %add3A_88 : i32 to index
      %get3A_93 = tpu.vector_load %get3A_91[%get3A_92] {strides = array<i32>} : memref<16384xf32, #tpu.memory_space<vmem>>, vector<16xf32>,
      %get3A_94 = vector.shape_cast %get3A_93 : vector<16xf32> to vector<16xf32>
      %mul3A_95 = arith.constant 32 : i32
      %mul3A_96 = arith.muli %scan3A_65, %mul3A_95 : i32
      %add3A_97 = arith.constant 16 : i32
      %add3A_98 = arith.addi %mul3A_96, %add3A_97 : i32
      %get3A_99 = arith.constant 0 : i32
      %get3A_100 = tpu.memref_slice %arg6[%scan3A_42, %get3A_99] : memref<2x16384xi32, #tpu.memory_space<vmem>> -> memref<1x16384xi32, #tpu.memory_space<vmem>>
      %get3A_101 = tpu.memref_squeeze %get3A_100 : memref<1x16384xi32, #tpu.memory_space<vmem>> -> memref<16384xi32, #tpu.memory_space<vmem>>
      %get3A_102 = arith.index_cast %add3A_98 : i32 to index
      %get3A_103 = tpu.vector_load %get3A_101[%get3A_102] {strides = array<i32>} : memref<16384xi32, #tpu.memory_space<vmem>>, vector<16xi32>,
      %get3A_104 = vector.shape_cast %get3A_103 : vector<16xi32> to vector<16xi32>
      %convert_element_type3A = arith.sitofp %get3A_84 : vector<16xi32> to vector<16xf32>
      %max3A = arith.constant 0.000000e+00 : f32
      %max3A_105 = vector.broadcast %max3A : f32 to vector<16xf32>
      %max3A_106 = arith.maximumf %convert_element_type3A, %max3A_105 : vector<16xf32>
      %add3A_107 = arith.constant 1.000000e+00 : f32
      %add3A_108 = vector.broadcast %add3A_107 : f32 to vector<16xf32>
      %add3A_109 = arith.addf %convert_element_type3A, %add3A_108 : vector<16xf32>
      %min3A = arith.constant 1.000000e+00 : f32
      %min3A_110 = vector.broadcast %min3A : f32 to vector<16xf32>
      %min3A_111 = arith.minimumf %add3A_109, %min3A_110 : vector<16xf32>
      %abs3A = math.absf %get3A_76 : vector<16xf32>
      %neg3A = arith.constant 0.000000e+00 : f32
      %neg3A_112 = vector.broadcast %neg3A : f32 to vector<16xf32>
      %neg3A_113 = arith.subf %neg3A_112, %abs3A : vector<16xf32>
      %exp3A = math.exp %neg3A_113 : vector<16xf32>
      %max3A_114 = arith.constant 0.000000e+00 : f32
      %max3A_115 = vector.broadcast %max3A_114 : f32 to vector<16xf32>
      %max3A_116 = arith.maximumf %get3A_76, %max3A_115 : vector<16xf32>
      %broadcast_in_dim3A_117 = arith.constant -1.720780e-02 : f32
      %broadcast_in_dim3A_118 = vector.broadcast %broadcast_in_dim3A_117 : f32 to vector<16xf32>
      %mul3A_119 = arith.mulf %broadcast_in_dim3A_118, %exp3A : vector<16xf32>
      %add3A_120 = arith.constant 0.0817256421 : f32
      %add3A_121 = vector.broadcast %add3A_120 : f32 to vector<16xf32>
      %add3A_122 = arith.addf %mul3A_119, %add3A_121 : vector<16xf32>
      %mul3A_123 = arith.mulf %add3A_122, %exp3A : vector<16xf32>
      %add3A_124 = arith.constant -0.188780829 : f32
      %add3A_125 = vector.broadcast %add3A_124 : f32 to vector<16xf32>
      %add3A_126 = arith.addf %mul3A_123, %add3A_125 : vector<16xf32>
      %mul3A_127 = arith.mulf %add3A_126, %exp3A : vector<16xf32>
      %add3A_128 = arith.constant 0.314589173 : f32
      %add3A_129 = vector.broadcast %add3A_128 : f32 to vector<16xf32>
      %add3A_130 = arith.addf %mul3A_127, %add3A_129 : vector<16xf32>
      %mul3A_131 = arith.mulf %add3A_130, %exp3A : vector<16xf32>
      %add3A_132 = arith.constant -0.496977419 : f32
      %add3A_133 = vector.broadcast %add3A_132 : f32 to vector<16xf32>
      %add3A_134 = arith.addf %mul3A_131, %add3A_133 : vector<16xf32>
      %mul3A_135 = arith.mulf %add3A_134, %exp3A : vector<16xf32>
      %add3A_136 = arith.constant 0.999792337 : f32
      %add3A_137 = vector.broadcast %add3A_136 : f32 to vector<16xf32>
      %add3A_138 = arith.addf %mul3A_135, %add3A_137 : vector<16xf32>
      %mul3A_139 = arith.mulf %add3A_138, %exp3A : vector<16xf32>
      %add3A_140 = arith.constant 3.5110213E-6 : f32
      %add3A_141 = vector.broadcast %add3A_140 : f32 to vector<16xf32>
      %add3A_142 = arith.addf %mul3A_139, %add3A_141 : vector<16xf32>
      %add3A_143 = arith.addf %max3A_116, %add3A_142 : vector<16xf32>
      %mul3A_144 = arith.mulf %min3A_111, %add3A_143 : vector<16xf32>
      %mul3A_145 = arith.mulf %get3A_76, %max3A_106 : vector<16xf32>
      %sub3A = arith.subf %mul3A_144, %mul3A_145 : vector<16xf32>
      %convert_element_type3A_146 = arith.sitofp %get3A_104 : vector<16xi32> to vector<16xf32>
      %max3A_147 = arith.constant 0.000000e+00 : f32
      %max3A_148 = vector.broadcast %max3A_147 : f32 to vector<16xf32>
      %max3A_149 = arith.maximumf %convert_element_type3A_146, %max3A_148 : vector<16xf32>
      %add3A_150 = arith.constant 1.000000e+00 : f32
      %add3A_151 = vector.broadcast %add3A_150 : f32 to vector<16xf32>
      %add3A_152 = arith.addf %convert_element_type3A_146, %add3A_151 : vector<16xf32>
      %min3A_153 = arith.constant 1.000000e+00 : f32
      %min3A_154 = vector.broadcast %min3A_153 : f32 to vector<16xf32>
      %min3A_155 = arith.minimumf %add3A_152, %min3A_154 : vector<16xf32>
      %abs3A_156 = math.absf %get3A_94 : vector<16xf32>
      %neg3A_157 = arith.constant 0.000000e+00 : f32
      %neg3A_158 = vector.broadcast %neg3A_157 : f32 to vector<16xf32>
      %neg3A_159 = arith.subf %neg3A_158, %abs3A_156 : vector<16xf32>
      %exp3A_160 = math.exp %neg3A_159 : vector<16xf32>
      %max3A_161 = arith.constant 0.000000e+00 : f32
      %max3A_162 = vector.broadcast %max3A_161 : f32 to vector<16xf32>
      %max3A_163 = arith.maximumf %get3A_94, %max3A_162 : vector<16xf32>
      %broadcast_in_dim3A_164 = arith.constant -1.720780e-02 : f32
      %broadcast_in_dim3A_165 = vector.broadcast %broadcast_in_dim3A_164 : f32 to vector<16xf32>
      %mul3A_166 = arith.mulf %broadcast_in_dim3A_165, %exp3A_160 : vector<16xf32>
      %add3A_167 = arith.constant 0.0817256421 : f32
      %add3A_168 = vector.broadcast %add3A_167 : f32 to vector<16xf32>
      %add3A_169 = arith.addf %mul3A_166, %add3A_168 : vector<16xf32>
      %mul3A_170 = arith.mulf %add3A_169, %exp3A_160 : vector<16xf32>
      %add3A_171 = arith.constant -0.188780829 : f32
      %add3A_172 = vector.broadcast %add3A_171 : f32 to vector<16xf32>
      %add3A_173 = arith.addf %mul3A_170, %add3A_172 : vector<16xf32>
      %mul3A_174 = arith.mulf %add3A_173, %exp3A_160 : vector<16xf32>
      %add3A_175 = arith.constant 0.314589173 : f32
      %add3A_176 = vector.broadcast %add3A_175 : f32 to vector<16xf32>
      %add3A_177 = arith.addf %mul3A_174, %add3A_176 : vector<16xf32>
      %mul3A_178 = arith.mulf %add3A_177, %exp3A_160 : vector<16xf32>
      %add3A_179 = arith.constant -0.496977419 : f32
      %add3A_180 = vector.broadcast %add3A_179 : f32 to vector<16xf32>
      %add3A_181 = arith.addf %mul3A_178, %add3A_180 : vector<16xf32>
      %mul3A_182 = arith.mulf %add3A_181, %exp3A_160 : vector<16xf32>
      %add3A_183 = arith.constant 0.999792337 : f32
      %add3A_184 = vector.broadcast %add3A_183 : f32 to vector<16xf32>
      %add3A_185 = arith.addf %mul3A_182, %add3A_184 : vector<16xf32>
      %mul3A_186 = arith.mulf %add3A_185, %exp3A_160 : vector<16xf32>
      %add3A_187 = arith.constant 3.5110213E-6 : f32
      %add3A_188 = vector.broadcast %add3A_187 : f32 to vector<16xf32>
      %add3A_189 = arith.addf %mul3A_186, %add3A_188 : vector<16xf32>
      %add3A_190 = arith.addf %max3A_163, %add3A_189 : vector<16xf32>
      %mul3A_191 = arith.mulf %min3A_155, %add3A_190 : vector<16xf32>
      %mul3A_192 = arith.mulf %get3A_94, %max3A_149 : vector<16xf32>
      %sub3A_193 = arith.subf %mul3A_191, %mul3A_192 : vector<16xf32>
      %add3A_194 = arith.addf %scan3A_66, %sub3A : vector<16xf32>
      %add3A_195 = arith.addf %scan3A_67, %min3A_111 : vector<16xf32>
      %add3A_196 = arith.addf %scan3A_68, %sub3A_193 : vector<16xf32>
      %add3A_197 = arith.addf %scan3A_69, %min3A_155 : vector<16xf32>
      %scan3A_198 = arith.constant 1 : i32
      %scan3A_199 = arith.addi %scan3A_65, %scan3A_198 : i32
      %mul3A_200 = arith.constant 32 : i32
      %mul3A_201 = arith.muli %scan3A_199, %mul3A_200 : i32
      %get3A_202 = arith.constant 0 : i32
      %get3A_203 = tpu.memref_slice %arg5[%scan3A, %get3A_202] : memref<2x16384xf32, #tpu.memory_space<vmem>> -> memref<1x16384xf32, #tpu.memory_space<vmem>>
      %get3A_204 = tpu.memref_squeeze %get3A_203 : memref<1x16384xf32, #tpu.memory_space<vmem>> -> memref<16384xf32, #tpu.memory_space<vmem>>
      %get3A_205 = arith.index_cast %mul3A_201 : i32 to index
      %get3A_206 = tpu.vector_load %get3A_204[%get3A_205] {strides = array<i32>} : memref<16384xf32, #tpu.memory_space<vmem>>, vector<16xf32>,
      %get3A_207 = vector.shape_cast %get3A_206 : vector<16xf32> to vector<16xf32>
      %mul3A_208 = arith.constant 32 : i32
      %mul3A_209 = arith.muli %scan3A_199, %mul3A_208 : i32
      %get3A_210 = arith.constant 0 : i32
      %get3A_211 = tpu.memref_slice %arg6[%scan3A_42, %get3A_210] : memref<2x16384xi32, #tpu.memory_space<vmem>> -> memref<1x16384xi32, #tpu.memory_space<vmem>>
      %get3A_212 = tpu.memref_squeeze %get3A_211 : memref<1x16384xi32, #tpu.memory_space<vmem>> -> memref<16384xi32, #tpu.memory_space<vmem>>
      %get3A_213 = arith.index_cast %mul3A_209 : i32 to index
      %get3A_214 = tpu.vector_load %get3A_212[%get3A_213] {strides = array<i32>} : memref<16384xi32, #tpu.memory_space<vmem>>, vector<16xi32>,
      %get3A_215 = vector.shape_cast %get3A_214 : vector<16xi32> to vector<16xi32>
      %mul3A_216 = arith.constant 32 : i32
      %mul3A_217 = arith.muli %scan3A_199, %mul3A_216 : i32
      %add3A_218 = arith.constant 16 : i32
      %add3A_219 = arith.addi %mul3A_217, %add3A_218 : i32
      %get3A_220 = arith.constant 0 : i32
      %get3A_221 = tpu.memref_slice %arg5[%scan3A, %get3A_220] : memref<2x16384xf32, #tpu.memory_space<vmem>> -> memref<1x16384xf32, #tpu.memory_space<vmem>>
      %get3A_222 = tpu.memref_squeeze %get3A_221 : memref<1x16384xf32, #tpu.memory_space<vmem>> -> memref<16384xf32, #tpu.memory_space<vmem>>
      %get3A_223 = arith.index_cast %add3A_219 : i32 to index
      %get3A_224 = tpu.vector_load %get3A_222[%get3A_223] {strides = array<i32>} : memref<16384xf32, #tpu.memory_space<vmem>>, vector<16xf32>,
      %get3A_225 = vector.shape_cast %get3A_224 : vector<16xf32> to vector<16xf32>
      %mul3A_226 = arith.constant 32 : i32
      %mul3A_227 = arith.muli %scan3A_199, %mul3A_226 : i32
      %add3A_228 = arith.constant 16 : i32
      %add3A_229 = arith.addi %mul3A_227, %add3A_228 : i32
      %get3A_230 = arith.constant 0 : i32
      %get3A_231 = tpu.memref_slice %arg6[%scan3A_42, %get3A_230] : memref<2x16384xi32, #tpu.memory_space<vmem>> -> memref<1x16384xi32, #tpu.memory_space<vmem>>
      %get3A_232 = tpu.memref_squeeze %get3A_231 : memref<1x16384xi32, #tpu.memory_space<vmem>> -> memref<16384xi32, #tpu.memory_space<vmem>>
      %get3A_233 = arith.index_cast %add3A_229 : i32 to index
      %get3A_234 = tpu.vector_load %get3A_232[%get3A_233] {strides = array<i32>} : memref<16384xi32, #tpu.memory_space<vmem>>, vector<16xi32>,
      %get3A_235 = vector.shape_cast %get3A_234 : vector<16xi32> to vector<16xi32>
      %convert_element_type3A_236 = arith.sitofp %get3A_215 : vector<16xi32> to vector<16xf32>
      %max3A_237 = arith.constant 0.000000e+00 : f32
      %max3A_238 = vector.broadcast %max3A_237 : f32 to vector<16xf32>
      %max3A_239 = arith.maximumf %convert_element_type3A_236, %max3A_238 : vector<16xf32>
      %add3A_240 = arith.constant 1.000000e+00 : f32
      %add3A_241 = vector.broadcast %add3A_240 : f32 to vector<16xf32>
      %add3A_242 = arith.addf %convert_element_type3A_236, %add3A_241 : vector<16xf32>
      %min3A_243 = arith.constant 1.000000e+00 : f32
      %min3A_244 = vector.broadcast %min3A_243 : f32 to vector<16xf32>
      %min3A_245 = arith.minimumf %add3A_242, %min3A_244 : vector<16xf32>
      %abs3A_246 = math.absf %get3A_207 : vector<16xf32>
      %neg3A_247 = arith.constant 0.000000e+00 : f32
      %neg3A_248 = vector.broadcast %neg3A_247 : f32 to vector<16xf32>
      %neg3A_249 = arith.subf %neg3A_248, %abs3A_246 : vector<16xf32>
      %exp3A_250 = math.exp %neg3A_249 : vector<16xf32>
      %max3A_251 = arith.constant 0.000000e+00 : f32
      %max3A_252 = vector.broadcast %max3A_251 : f32 to vector<16xf32>
      %max3A_253 = arith.maximumf %get3A_207, %max3A_252 : vector<16xf32>
      %broadcast_in_dim3A_254 = arith.constant -1.720780e-02 : f32
      %broadcast_in_dim3A_255 = vector.broadcast %broadcast_in_dim3A_254 : f32 to vector<16xf32>
      %mul3A_256 = arith.mulf %broadcast_in_dim3A_255, %exp3A_250 : vector<16xf32>
      %add3A_257 = arith.constant 0.0817256421 : f32
      %add3A_258 = vector.broadcast %add3A_257 : f32 to vector<16xf32>
      %add3A_259 = arith.addf %mul3A_256, %add3A_258 : vector<16xf32>
      %mul3A_260 = arith.mulf %add3A_259, %exp3A_250 : vector<16xf32>
      %add3A_261 = arith.constant -0.188780829 : f32
      %add3A_262 = vector.broadcast %add3A_261 : f32 to vector<16xf32>
      %add3A_263 = arith.addf %mul3A_260, %add3A_262 : vector<16xf32>
      %mul3A_264 = arith.mulf %add3A_263, %exp3A_250 : vector<16xf32>
      %add3A_265 = arith.constant 0.314589173 : f32
      %add3A_266 = vector.broadcast %add3A_265 : f32 to vector<16xf32>
      %add3A_267 = arith.addf %mul3A_264, %add3A_266 : vector<16xf32>
      %mul3A_268 = arith.mulf %add3A_267, %exp3A_250 : vector<16xf32>
      %add3A_269 = arith.constant -0.496977419 : f32
      %add3A_270 = vector.broadcast %add3A_269 : f32 to vector<16xf32>
      %add3A_271 = arith.addf %mul3A_268, %add3A_270 : vector<16xf32>
      %mul3A_272 = arith.mulf %add3A_271, %exp3A_250 : vector<16xf32>
      %add3A_273 = arith.constant 0.999792337 : f32
      %add3A_274 = vector.broadcast %add3A_273 : f32 to vector<16xf32>
      %add3A_275 = arith.addf %mul3A_272, %add3A_274 : vector<16xf32>
      %mul3A_276 = arith.mulf %add3A_275, %exp3A_250 : vector<16xf32>
      %add3A_277 = arith.constant 3.5110213E-6 : f32
      %add3A_278 = vector.broadcast %add3A_277 : f32 to vector<16xf32>
      %add3A_279 = arith.addf %mul3A_276, %add3A_278 : vector<16xf32>
      %add3A_280 = arith.addf %max3A_253, %add3A_279 : vector<16xf32>
      %mul3A_281 = arith.mulf %min3A_245, %add3A_280 : vector<16xf32>
      %mul3A_282 = arith.mulf %get3A_207, %max3A_239 : vector<16xf32>
      %sub3A_283 = arith.subf %mul3A_281, %mul3A_282 : vector<16xf32>
      %convert_element_type3A_284 = arith.sitofp %get3A_235 : vector<16xi32> to vector<16xf32>
      %max3A_285 = arith.constant 0.000000e+00 : f32
      %max3A_286 = vector.broadcast %max3A_285 : f32 to vector<16xf32>
      %max3A_287 = arith.maximumf %convert_element_type3A_284, %max3A_286 : vector<16xf32>
      %add3A_288 = arith.constant 1.000000e+00 : f32
      %add3A_289 = vector.broadcast %add3A_288 : f32 to vector<16xf32>
      %add3A_290 = arith.addf %convert_element_type3A_284, %add3A_289 : vector<16xf32>
      %min3A_291 = arith.constant 1.000000e+00 : f32
      %min3A_292 = vector.broadcast %min3A_291 : f32 to vector<16xf32>
      %min3A_293 = arith.minimumf %add3A_290, %min3A_292 : vector<16xf32>
      %abs3A_294 = math.absf %get3A_225 : vector<16xf32>
      %neg3A_295 = arith.constant 0.000000e+00 : f32
      %neg3A_296 = vector.broadcast %neg3A_295 : f32 to vector<16xf32>
      %neg3A_297 = arith.subf %neg3A_296, %abs3A_294 : vector<16xf32>
      %exp3A_298 = math.exp %neg3A_297 : vector<16xf32>
      %max3A_299 = arith.constant 0.000000e+00 : f32
      %max3A_300 = vector.broadcast %max3A_299 : f32 to vector<16xf32>
      %max3A_301 = arith.maximumf %get3A_225, %max3A_300 : vector<16xf32>
      %broadcast_in_dim3A_302 = arith.constant -1.720780e-02 : f32
      %broadcast_in_dim3A_303 = vector.broadcast %broadcast_in_dim3A_302 : f32 to vector<16xf32>
      %mul3A_304 = arith.mulf %broadcast_in_dim3A_303, %exp3A_298 : vector<16xf32>
      %add3A_305 = arith.constant 0.0817256421 : f32
      %add3A_306 = vector.broadcast %add3A_305 : f32 to vector<16xf32>
      %add3A_307 = arith.addf %mul3A_304, %add3A_306 : vector<16xf32>
      %mul3A_308 = arith.mulf %add3A_307, %exp3A_298 : vector<16xf32>
      %add3A_309 = arith.constant -0.188780829 : f32
      %add3A_310 = vector.broadcast %add3A_309 : f32 to vector<16xf32>
      %add3A_311 = arith.addf %mul3A_308, %add3A_310 : vector<16xf32>
      %mul3A_312 = arith.mulf %add3A_311, %exp3A_298 : vector<16xf32>
      %add3A_313 = arith.constant 0.314589173 : f32
      %add3A_314 = vector.broadcast %add3A_313 : f32 to vector<16xf32>
      %add3A_315 = arith.addf %mul3A_312, %add3A_314 : vector<16xf32>
      %mul3A_316 = arith.mulf %add3A_315, %exp3A_298 : vector<16xf32>
      %add3A_317 = arith.constant -0.496977419 : f32
      %add3A_318 = vector.broadcast %add3A_317 : f32 to vector<16xf32>
      %add3A_319 = arith.addf %mul3A_316, %add3A_318 : vector<16xf32>
      %mul3A_320 = arith.mulf %add3A_319, %exp3A_298 : vector<16xf32>
      %add3A_321 = arith.constant 0.999792337 : f32
      %add3A_322 = vector.broadcast %add3A_321 : f32 to vector<16xf32>
      %add3A_323 = arith.addf %mul3A_320, %add3A_322 : vector<16xf32>
      %mul3A_324 = arith.mulf %add3A_323, %exp3A_298 : vector<16xf32>
      %add3A_325 = arith.constant 3.5110213E-6 : f32
      %add3A_326 = vector.broadcast %add3A_325 : f32 to vector<16xf32>
      %add3A_327 = arith.addf %mul3A_324, %add3A_326 : vector<16xf32>
      %add3A_328 = arith.addf %max3A_301, %add3A_327 : vector<16xf32>
      %mul3A_329 = arith.mulf %min3A_293, %add3A_328 : vector<16xf32>
      %mul3A_330 = arith.mulf %get3A_225, %max3A_287 : vector<16xf32>
      %sub3A_331 = arith.subf %mul3A_329, %mul3A_330 : vector<16xf32>
      %add3A_332 = arith.addf %add3A_194, %sub3A_283 : vector<16xf32>
      %add3A_333 = arith.addf %add3A_195, %min3A_245 : vector<16xf32>
      %add3A_334 = arith.addf %add3A_196, %sub3A_331 : vector<16xf32>
      %add3A_335 = arith.addf %add3A_197, %min3A_293 : vector<16xf32>
      %scan3A_336 = arith.constant 2 : i32
      %scan3A_337 = arith.addi %scan3A_65, %scan3A_336 : i32
      %mul3A_338 = arith.constant 32 : i32
      %mul3A_339 = arith.muli %scan3A_337, %mul3A_338 : i32
      %get3A_340 = arith.constant 0 : i32
      %get3A_341 = tpu.memref_slice %arg5[%scan3A, %get3A_340] : memref<2x16384xf32, #tpu.memory_space<vmem>> -> memref<1x16384xf32, #tpu.memory_space<vmem>>
      %get3A_342 = tpu.memref_squeeze %get3A_341 : memref<1x16384xf32, #tpu.memory_space<vmem>> -> memref<16384xf32, #tpu.memory_space<vmem>>
      %get3A_343 = arith.index_cast %mul3A_339 : i32 to index
      %get3A_344 = tpu.vector_load %get3A_342[%get3A_343] {strides = array<i32>} : memref<16384xf32, #tpu.memory_space<vmem>>, vector<16xf32>,
      %get3A_345 = vector.shape_cast %get3A_344 : vector<16xf32> to vector<16xf32>
      %mul3A_346 = arith.constant 32 : i32
      %mul3A_347 = arith.muli %scan3A_337, %mul3A_346 : i32
      %get3A_348 = arith.constant 0 : i32
      %get3A_349 = tpu.memref_slice %arg6[%scan3A_42, %get3A_348] : memref<2x16384xi32, #tpu.memory_space<vmem>> -> memref<1x16384xi32, #tpu.memory_space<vmem>>
      %get3A_350 = tpu.memref_squeeze %get3A_349 : memref<1x16384xi32, #tpu.memory_space<vmem>> -> memref<16384xi32, #tpu.memory_space<vmem>>
      %get3A_351 = arith.index_cast %mul3A_347 : i32 to index
      %get3A_352 = tpu.vector_load %get3A_350[%get3A_351] {strides = array<i32>} : memref<16384xi32, #tpu.memory_space<vmem>>, vector<16xi32>,
      %get3A_353 = vector.shape_cast %get3A_352 : vector<16xi32> to vector<16xi32>
      %mul3A_354 = arith.constant 32 : i32
      %mul3A_355 = arith.muli %scan3A_337, %mul3A_354 : i32
      %add3A_356 = arith.constant 16 : i32
      %add3A_357 = arith.addi %mul3A_355, %add3A_356 : i32
      %get3A_358 = arith.constant 0 : i32
      %get3A_359 = tpu.memref_slice %arg5[%scan3A, %get3A_358] : memref<2x16384xf32, #tpu.memory_space<vmem>> -> memref<1x16384xf32, #tpu.memory_space<vmem>>
      %get3A_360 = tpu.memref_squeeze %get3A_359 : memref<1x16384xf32, #tpu.memory_space<vmem>> -> memref<16384xf32, #tpu.memory_space<vmem>>
      %get3A_361 = arith.index_cast %add3A_357 : i32 to index
      %get3A_362 = tpu.vector_load %get3A_360[%get3A_361] {strides = array<i32>} : memref<16384xf32, #tpu.memory_space<vmem>>, vector<16xf32>,
      %get3A_363 = vector.shape_cast %get3A_362 : vector<16xf32> to vector<16xf32>
      %mul3A_364 = arith.constant 32 : i32
      %mul3A_365 = arith.muli %scan3A_337, %mul3A_364 : i32
      %add3A_366 = arith.constant 16 : i32
      %add3A_367 = arith.addi %mul3A_365, %add3A_366 : i32
      %get3A_368 = arith.constant 0 : i32
      %get3A_369 = tpu.memref_slice %arg6[%scan3A_42, %get3A_368] : memref<2x16384xi32, #tpu.memory_space<vmem>> -> memref<1x16384xi32, #tpu.memory_space<vmem>>
      %get3A_370 = tpu.memref_squeeze %get3A_369 : memref<1x16384xi32, #tpu.memory_space<vmem>> -> memref<16384xi32, #tpu.memory_space<vmem>>
      %get3A_371 = arith.index_cast %add3A_367 : i32 to index
      %get3A_372 = tpu.vector_load %get3A_370[%get3A_371] {strides = array<i32>} : memref<16384xi32, #tpu.memory_space<vmem>>, vector<16xi32>,
      %get3A_373 = vector.shape_cast %get3A_372 : vector<16xi32> to vector<16xi32>
      %convert_element_type3A_374 = arith.sitofp %get3A_353 : vector<16xi32> to vector<16xf32>
      %max3A_375 = arith.constant 0.000000e+00 : f32
      %max3A_376 = vector.broadcast %max3A_375 : f32 to vector<16xf32>
      %max3A_377 = arith.maximumf %convert_element_type3A_374, %max3A_376 : vector<16xf32>
      %add3A_378 = arith.constant 1.000000e+00 : f32
      %add3A_379 = vector.broadcast %add3A_378 : f32 to vector<16xf32>
      %add3A_380 = arith.addf %convert_element_type3A_374, %add3A_379 : vector<16xf32>
      %min3A_381 = arith.constant 1.000000e+00 : f32
      %min3A_382 = vector.broadcast %min3A_381 : f32 to vector<16xf32>
      %min3A_383 = arith.minimumf %add3A_380, %min3A_382 : vector<16xf32>
      %abs3A_384 = math.absf %get3A_345 : vector<16xf32>
      %neg3A_385 = arith.constant 0.000000e+00 : f32
      %neg3A_386 = vector.broadcast %neg3A_385 : f32 to vector<16xf32>
      %neg3A_387 = arith.subf %neg3A_386, %abs3A_384 : vector<16xf32>
      %exp3A_388 = math.exp %neg3A_387 : vector<16xf32>
      %max3A_389 = arith.constant 0.000000e+00 : f32
      %max3A_390 = vector.broadcast %max3A_389 : f32 to vector<16xf32>
      %max3A_391 = arith.maximumf %get3A_345, %max3A_390 : vector<16xf32>
      %broadcast_in_dim3A_392 = arith.constant -1.720780e-02 : f32
      %broadcast_in_dim3A_393 = vector.broadcast %broadcast_in_dim3A_392 : f32 to vector<16xf32>
      %mul3A_394 = arith.mulf %broadcast_in_dim3A_393, %exp3A_388 : vector<16xf32>
      %add3A_395 = arith.constant 0.0817256421 : f32
      %add3A_396 = vector.broadcast %add3A_395 : f32 to vector<16xf32>
      %add3A_397 = arith.addf %mul3A_394, %add3A_396 : vector<16xf32>
      %mul3A_398 = arith.mulf %add3A_397, %exp3A_388 : vector<16xf32>
      %add3A_399 = arith.constant -0.188780829 : f32
      %add3A_400 = vector.broadcast %add3A_399 : f32 to vector<16xf32>
      %add3A_401 = arith.addf %mul3A_398, %add3A_400 : vector<16xf32>
      %mul3A_402 = arith.mulf %add3A_401, %exp3A_388 : vector<16xf32>
      %add3A_403 = arith.constant 0.314589173 : f32
      %add3A_404 = vector.broadcast %add3A_403 : f32 to vector<16xf32>
      %add3A_405 = arith.addf %mul3A_402, %add3A_404 : vector<16xf32>
      %mul3A_406 = arith.mulf %add3A_405, %exp3A_388 : vector<16xf32>
      %add3A_407 = arith.constant -0.496977419 : f32
      %add3A_408 = vector.broadcast %add3A_407 : f32 to vector<16xf32>
      %add3A_409 = arith.addf %mul3A_406, %add3A_408 : vector<16xf32>
      %mul3A_410 = arith.mulf %add3A_409, %exp3A_388 : vector<16xf32>
      %add3A_411 = arith.constant 0.999792337 : f32
      %add3A_412 = vector.broadcast %add3A_411 : f32 to vector<16xf32>
      %add3A_413 = arith.addf %mul3A_410, %add3A_412 : vector<16xf32>
      %mul3A_414 = arith.mulf %add3A_413, %exp3A_388 : vector<16xf32>
      %add3A_415 = arith.constant 3.5110213E-6 : f32
      %add3A_416 = vector.broadcast %add3A_415 : f32 to vector<16xf32>
      %add3A_417 = arith.addf %mul3A_414, %add3A_416 : vector<16xf32>
      %add3A_418 = arith.addf %max3A_391, %add3A_417 : vector<16xf32>
      %mul3A_419 = arith.mulf %min3A_383, %add3A_418 : vector<16xf32>
      %mul3A_420 = arith.mulf %get3A_345, %max3A_377 : vector<16xf32>
      %sub3A_421 = arith.subf %mul3A_419, %mul3A_420 : vector<16xf32>
      %convert_element_type3A_422 = arith.sitofp %get3A_373 : vector<16xi32> to vector<16xf32>
      %max3A_423 = arith.constant 0.000000e+00 : f32
      %max3A_424 = vector.broadcast %max3A_423 : f32 to vector<16xf32>
      %max3A_425 = arith.maximumf %convert_element_type3A_422, %max3A_424 : vector<16xf32>
      %add3A_426 = arith.constant 1.000000e+00 : f32
      %add3A_427 = vector.broadcast %add3A_426 : f32 to vector<16xf32>
      %add3A_428 = arith.addf %convert_element_type3A_422, %add3A_427 : vector<16xf32>
      %min3A_429 = arith.constant 1.000000e+00 : f32
      %min3A_430 = vector.broadcast %min3A_429 : f32 to vector<16xf32>
      %min3A_431 = arith.minimumf %add3A_428, %min3A_430 : vector<16xf32>
      %abs3A_432 = math.absf %get3A_363 : vector<16xf32>
      %neg3A_433 = arith.constant 0.000000e+00 : f32
      %neg3A_434 = vector.broadcast %neg3A_433 : f32 to vector<16xf32>
      %neg3A_435 = arith.subf %neg3A_434, %abs3A_432 : vector<16xf32>
      %exp3A_436 = math.exp %neg3A_435 : vector<16xf32>
      %max3A_437 = arith.constant 0.000000e+00 : f32
      %max3A_438 = vector.broadcast %max3A_437 : f32 to vector<16xf32>
      %max3A_439 = arith.maximumf %get3A_363, %max3A_438 : vector<16xf32>
      %broadcast_in_dim3A_440 = arith.constant -1.720780e-02 : f32
      %broadcast_in_dim3A_441 = vector.broadcast %broadcast_in_dim3A_440 : f32 to vector<16xf32>
      %mul3A_442 = arith.mulf %broadcast_in_dim3A_441, %exp3A_436 : vector<16xf32>
      %add3A_443 = arith.constant 0.0817256421 : f32
      %add3A_444 = vector.broadcast %add3A_443 : f32 to vector<16xf32>
      %add3A_445 = arith.addf %mul3A_442, %add3A_444 : vector<16xf32>
      %mul3A_446 = arith.mulf %add3A_445, %exp3A_436 : vector<16xf32>
      %add3A_447 = arith.constant -0.188780829 : f32
      %add3A_448 = vector.broadcast %add3A_447 : f32 to vector<16xf32>
      %add3A_449 = arith.addf %mul3A_446, %add3A_448 : vector<16xf32>
      %mul3A_450 = arith.mulf %add3A_449, %exp3A_436 : vector<16xf32>
      %add3A_451 = arith.constant 0.314589173 : f32
      %add3A_452 = vector.broadcast %add3A_451 : f32 to vector<16xf32>
      %add3A_453 = arith.addf %mul3A_450, %add3A_452 : vector<16xf32>
      %mul3A_454 = arith.mulf %add3A_453, %exp3A_436 : vector<16xf32>
      %add3A_455 = arith.constant -0.496977419 : f32
      %add3A_456 = vector.broadcast %add3A_455 : f32 to vector<16xf32>
      %add3A_457 = arith.addf %mul3A_454, %add3A_456 : vector<16xf32>
      %mul3A_458 = arith.mulf %add3A_457, %exp3A_436 : vector<16xf32>
      %add3A_459 = arith.constant 0.999792337 : f32
      %add3A_460 = vector.broadcast %add3A_459 : f32 to vector<16xf32>
      %add3A_461 = arith.addf %mul3A_458, %add3A_460 : vector<16xf32>
      %mul3A_462 = arith.mulf %add3A_461, %exp3A_436 : vector<16xf32>
      %add3A_463 = arith.constant 3.5110213E-6 : f32
      %add3A_464 = vector.broadcast %add3A_463 : f32 to vector<16xf32>
      %add3A_465 = arith.addf %mul3A_462, %add3A_464 : vector<16xf32>
      %add3A_466 = arith.addf %max3A_439, %add3A_465 : vector<16xf32>
      %mul3A_467 = arith.mulf %min3A_431, %add3A_466 : vector<16xf32>
      %mul3A_468 = arith.mulf %get3A_363, %max3A_425 : vector<16xf32>
      %sub3A_469 = arith.subf %mul3A_467, %mul3A_468 : vector<16xf32>
      %add3A_470 = arith.addf %add3A_332, %sub3A_421 : vector<16xf32>
      %add3A_471 = arith.addf %add3A_333, %min3A_383 : vector<16xf32>
      %add3A_472 = arith.addf %add3A_334, %sub3A_469 : vector<16xf32>
      %add3A_473 = arith.addf %add3A_335, %min3A_431 : vector<16xf32>
      %scan3A_474 = arith.constant 3 : i32
      %scan3A_475 = arith.addi %scan3A_65, %scan3A_474 : i32
      %mul3A_476 = arith.constant 32 : i32
      %mul3A_477 = arith.muli %scan3A_475, %mul3A_476 : i32
      %get3A_478 = arith.constant 0 : i32
      %get3A_479 = tpu.memref_slice %arg5[%scan3A, %get3A_478] : memref<2x16384xf32, #tpu.memory_space<vmem>> -> memref<1x16384xf32, #tpu.memory_space<vmem>>
      %get3A_480 = tpu.memref_squeeze %get3A_479 : memref<1x16384xf32, #tpu.memory_space<vmem>> -> memref<16384xf32, #tpu.memory_space<vmem>>
      %get3A_481 = arith.index_cast %mul3A_477 : i32 to index
      %get3A_482 = tpu.vector_load %get3A_480[%get3A_481] {strides = array<i32>} : memref<16384xf32, #tpu.memory_space<vmem>>, vector<16xf32>,
      %get3A_483 = vector.shape_cast %get3A_482 : vector<16xf32> to vector<16xf32>
      %mul3A_484 = arith.constant 32 : i32
      %mul3A_485 = arith.muli %scan3A_475, %mul3A_484 : i32
      %get3A_486 = arith.constant 0 : i32
      %get3A_487 = tpu.memref_slice %arg6[%scan3A_42, %get3A_486] : memref<2x16384xi32, #tpu.memory_space<vmem>> -> memref<1x16384xi32, #tpu.memory_space<vmem>>
      %get3A_488 = tpu.memref_squeeze %get3A_487 : memref<1x16384xi32, #tpu.memory_space<vmem>> -> memref<16384xi32, #tpu.memory_space<vmem>>
      %get3A_489 = arith.index_cast %mul3A_485 : i32 to index
      %get3A_490 = tpu.vector_load %get3A_488[%get3A_489] {strides = array<i32>} : memref<16384xi32, #tpu.memory_space<vmem>>, vector<16xi32>,
      %get3A_491 = vector.shape_cast %get3A_490 : vector<16xi32> to vector<16xi32>
      %mul3A_492 = arith.constant 32 : i32
      %mul3A_493 = arith.muli %scan3A_475, %mul3A_492 : i32
      %add3A_494 = arith.constant 16 : i32
      %add3A_495 = arith.addi %mul3A_493, %add3A_494 : i32
      %get3A_496 = arith.constant 0 : i32
      %get3A_497 = tpu.memref_slice %arg5[%scan3A, %get3A_496] : memref<2x16384xf32, #tpu.memory_space<vmem>> -> memref<1x16384xf32, #tpu.memory_space<vmem>>
      %get3A_498 = tpu.memref_squeeze %get3A_497 : memref<1x16384xf32, #tpu.memory_space<vmem>> -> memref<16384xf32, #tpu.memory_space<vmem>>
      %get3A_499 = arith.index_cast %add3A_495 : i32 to index
      %get3A_500 = tpu.vector_load %get3A_498[%get3A_499] {strides = array<i32>} : memref<16384xf32, #tpu.memory_space<vmem>>, vector<16xf32>,
      %get3A_501 = vector.shape_cast %get3A_500 : vector<16xf32> to vector<16xf32>
      %mul3A_502 = arith.constant 32 : i32
      %mul3A_503 = arith.muli %scan3A_475, %mul3A_502 : i32
      %add3A_504 = arith.constant 16 : i32
      %add3A_505 = arith.addi %mul3A_503, %add3A_504 : i32
      %get3A_506 = arith.constant 0 : i32
      %get3A_507 = tpu.memref_slice %arg6[%scan3A_42, %get3A_506] : memref<2x16384xi32, #tpu.memory_space<vmem>> -> memref<1x16384xi32, #tpu.memory_space<vmem>>
      %get3A_508 = tpu.memref_squeeze %get3A_507 : memref<1x16384xi32, #tpu.memory_space<vmem>> -> memref<16384xi32, #tpu.memory_space<vmem>>
      %get3A_509 = arith.index_cast %add3A_505 : i32 to index
      %get3A_510 = tpu.vector_load %get3A_508[%get3A_509] {strides = array<i32>} : memref<16384xi32, #tpu.memory_space<vmem>>, vector<16xi32>,
      %get3A_511 = vector.shape_cast %get3A_510 : vector<16xi32> to vector<16xi32>
      %convert_element_type3A_512 = arith.sitofp %get3A_491 : vector<16xi32> to vector<16xf32>
      %max3A_513 = arith.constant 0.000000e+00 : f32
      %max3A_514 = vector.broadcast %max3A_513 : f32 to vector<16xf32>
      %max3A_515 = arith.maximumf %convert_element_type3A_512, %max3A_514 : vector<16xf32>
      %add3A_516 = arith.constant 1.000000e+00 : f32
      %add3A_517 = vector.broadcast %add3A_516 : f32 to vector<16xf32>
      %add3A_518 = arith.addf %convert_element_type3A_512, %add3A_517 : vector<16xf32>
      %min3A_519 = arith.constant 1.000000e+00 : f32
      %min3A_520 = vector.broadcast %min3A_519 : f32 to vector<16xf32>
      %min3A_521 = arith.minimumf %add3A_518, %min3A_520 : vector<16xf32>
      %abs3A_522 = math.absf %get3A_483 : vector<16xf32>
      %neg3A_523 = arith.constant 0.000000e+00 : f32
      %neg3A_524 = vector.broadcast %neg3A_523 : f32 to vector<16xf32>
      %neg3A_525 = arith.subf %neg3A_524, %abs3A_522 : vector<16xf32>
      %exp3A_526 = math.exp %neg3A_525 : vector<16xf32>
      %max3A_527 = arith.constant 0.000000e+00 : f32
      %max3A_528 = vector.broadcast %max3A_527 : f32 to vector<16xf32>
      %max3A_529 = arith.maximumf %get3A_483, %max3A_528 : vector<16xf32>
      %broadcast_in_dim3A_530 = arith.constant -1.720780e-02 : f32
      %broadcast_in_dim3A_531 = vector.broadcast %broadcast_in_dim3A_530 : f32 to vector<16xf32>
      %mul3A_532 = arith.mulf %broadcast_in_dim3A_531, %exp3A_526 : vector<16xf32>
      %add3A_533 = arith.constant 0.0817256421 : f32
      %add3A_534 = vector.broadcast %add3A_533 : f32 to vector<16xf32>
      %add3A_535 = arith.addf %mul3A_532, %add3A_534 : vector<16xf32>
      %mul3A_536 = arith.mulf %add3A_535, %exp3A_526 : vector<16xf32>
      %add3A_537 = arith.constant -0.188780829 : f32
      %add3A_538 = vector.broadcast %add3A_537 : f32 to vector<16xf32>
      %add3A_539 = arith.addf %mul3A_536, %add3A_538 : vector<16xf32>
      %mul3A_540 = arith.mulf %add3A_539, %exp3A_526 : vector<16xf32>
      %add3A_541 = arith.constant 0.314589173 : f32
      %add3A_542 = vector.broadcast %add3A_541 : f32 to vector<16xf32>
      %add3A_543 = arith.addf %mul3A_540, %add3A_542 : vector<16xf32>
      %mul3A_544 = arith.mulf %add3A_543, %exp3A_526 : vector<16xf32>
      %add3A_545 = arith.constant -0.496977419 : f32
      %add3A_546 = vector.broadcast %add3A_545 : f32 to vector<16xf32>
      %add3A_547 = arith.addf %mul3A_544, %add3A_546 : vector<16xf32>
      %mul3A_548 = arith.mulf %add3A_547, %exp3A_526 : vector<16xf32>
      %add3A_549 = arith.constant 0.999792337 : f32
      %add3A_550 = vector.broadcast %add3A_549 : f32 to vector<16xf32>
      %add3A_551 = arith.addf %mul3A_548, %add3A_550 : vector<16xf32>
      %mul3A_552 = arith.mulf %add3A_551, %exp3A_526 : vector<16xf32>
      %add3A_553 = arith.constant 3.5110213E-6 : f32
      %add3A_554 = vector.broadcast %add3A_553 : f32 to vector<16xf32>
      %add3A_555 = arith.addf %mul3A_552, %add3A_554 : vector<16xf32>
      %add3A_556 = arith.addf %max3A_529, %add3A_555 : vector<16xf32>
      %mul3A_557 = arith.mulf %min3A_521, %add3A_556 : vector<16xf32>
      %mul3A_558 = arith.mulf %get3A_483, %max3A_515 : vector<16xf32>
      %sub3A_559 = arith.subf %mul3A_557, %mul3A_558 : vector<16xf32>
      %convert_element_type3A_560 = arith.sitofp %get3A_511 : vector<16xi32> to vector<16xf32>
      %max3A_561 = arith.constant 0.000000e+00 : f32
      %max3A_562 = vector.broadcast %max3A_561 : f32 to vector<16xf32>
      %max3A_563 = arith.maximumf %convert_element_type3A_560, %max3A_562 : vector<16xf32>
      %add3A_564 = arith.constant 1.000000e+00 : f32
      %add3A_565 = vector.broadcast %add3A_564 : f32 to vector<16xf32>
      %add3A_566 = arith.addf %convert_element_type3A_560, %add3A_565 : vector<16xf32>
      %min3A_567 = arith.constant 1.000000e+00 : f32
      %min3A_568 = vector.broadcast %min3A_567 : f32 to vector<16xf32>
      %min3A_569 = arith.minimumf %add3A_566, %min3A_568 : vector<16xf32>
      %abs3A_570 = math.absf %get3A_501 : vector<16xf32>
      %neg3A_571 = arith.constant 0.000000e+00 : f32
      %neg3A_572 = vector.broadcast %neg3A_571 : f32 to vector<16xf32>
      %neg3A_573 = arith.subf %neg3A_572, %abs3A_570 : vector<16xf32>
      %exp3A_574 = math.exp %neg3A_573 : vector<16xf32>
      %max3A_575 = arith.constant 0.000000e+00 : f32
      %max3A_576 = vector.broadcast %max3A_575 : f32 to vector<16xf32>
      %max3A_577 = arith.maximumf %get3A_501, %max3A_576 : vector<16xf32>
      %broadcast_in_dim3A_578 = arith.constant -1.720780e-02 : f32
      %broadcast_in_dim3A_579 = vector.broadcast %broadcast_in_dim3A_578 : f32 to vector<16xf32>
      %mul3A_580 = arith.mulf %broadcast_in_dim3A_579, %exp3A_574 : vector<16xf32>
      %add3A_581 = arith.constant 0.0817256421 : f32
      %add3A_582 = vector.broadcast %add3A_581 : f32 to vector<16xf32>
      %add3A_583 = arith.addf %mul3A_580, %add3A_582 : vector<16xf32>
      %mul3A_584 = arith.mulf %add3A_583, %exp3A_574 : vector<16xf32>
      %add3A_585 = arith.constant -0.188780829 : f32
      %add3A_586 = vector.broadcast %add3A_585 : f32 to vector<16xf32>
      %add3A_587 = arith.addf %mul3A_584, %add3A_586 : vector<16xf32>
      %mul3A_588 = arith.mulf %add3A_587, %exp3A_574 : vector<16xf32>
      %add3A_589 = arith.constant 0.314589173 : f32
      %add3A_590 = vector.broadcast %add3A_589 : f32 to vector<16xf32>
      %add3A_591 = arith.addf %mul3A_588, %add3A_590 : vector<16xf32>
      %mul3A_592 = arith.mulf %add3A_591, %exp3A_574 : vector<16xf32>
      %add3A_593 = arith.constant -0.496977419 : f32
      %add3A_594 = vector.broadcast %add3A_593 : f32 to vector<16xf32>
      %add3A_595 = arith.addf %mul3A_592, %add3A_594 : vector<16xf32>
      %mul3A_596 = arith.mulf %add3A_595, %exp3A_574 : vector<16xf32>
      %add3A_597 = arith.constant 0.999792337 : f32
      %add3A_598 = vector.broadcast %add3A_597 : f32 to vector<16xf32>
      %add3A_599 = arith.addf %mul3A_596, %add3A_598 : vector<16xf32>
      %mul3A_600 = arith.mulf %add3A_599, %exp3A_574 : vector<16xf32>
      %add3A_601 = arith.constant 3.5110213E-6 : f32
      %add3A_602 = vector.broadcast %add3A_601 : f32 to vector<16xf32>
      %add3A_603 = arith.addf %mul3A_600, %add3A_602 : vector<16xf32>
      %add3A_604 = arith.addf %max3A_577, %add3A_603 : vector<16xf32>
      %mul3A_605 = arith.mulf %min3A_569, %add3A_604 : vector<16xf32>
      %mul3A_606 = arith.mulf %get3A_501, %max3A_563 : vector<16xf32>
      %sub3A_607 = arith.subf %mul3A_605, %mul3A_606 : vector<16xf32>
      %add3A_608 = arith.addf %add3A_470, %sub3A_559 : vector<16xf32>
      %add3A_609 = arith.addf %add3A_471, %min3A_521 : vector<16xf32>
      %add3A_610 = arith.addf %add3A_472, %sub3A_607 : vector<16xf32>
      %add3A_611 = arith.addf %add3A_473, %min3A_569 : vector<16xf32>
      %scan3A_612 = arith.constant 4 : i32
      %scan3A_613 = arith.addi %scan3A_65, %scan3A_612 : i32
      %mul3A_614 = arith.constant 32 : i32
      %mul3A_615 = arith.muli %scan3A_613, %mul3A_614 : i32
      %get3A_616 = arith.constant 0 : i32
      %get3A_617 = tpu.memref_slice %arg5[%scan3A, %get3A_616] : memref<2x16384xf32, #tpu.memory_space<vmem>> -> memref<1x16384xf32, #tpu.memory_space<vmem>>
      %get3A_618 = tpu.memref_squeeze %get3A_617 : memref<1x16384xf32, #tpu.memory_space<vmem>> -> memref<16384xf32, #tpu.memory_space<vmem>>
      %get3A_619 = arith.index_cast %mul3A_615 : i32 to index
      %get3A_620 = tpu.vector_load %get3A_618[%get3A_619] {strides = array<i32>} : memref<16384xf32, #tpu.memory_space<vmem>>, vector<16xf32>,
      %get3A_621 = vector.shape_cast %get3A_620 : vector<16xf32> to vector<16xf32>
      %mul3A_622 = arith.constant 32 : i32
      %mul3A_623 = arith.muli %scan3A_613, %mul3A_622 : i32
      %get3A_624 = arith.constant 0 : i32
      %get3A_625 = tpu.memref_slice %arg6[%scan3A_42, %get3A_624] : memref<2x16384xi32, #tpu.memory_space<vmem>> -> memref<1x16384xi32, #tpu.memory_space<vmem>>
      %get3A_626 = tpu.memref_squeeze %get3A_625 : memref<1x16384xi32, #tpu.memory_space<vmem>> -> memref<16384xi32, #tpu.memory_space<vmem>>
      %get3A_627 = arith.index_cast %mul3A_623 : i32 to index
      %get3A_628 = tpu.vector_load %get3A_626[%get3A_627] {strides = array<i32>} : memref<16384xi32, #tpu.memory_space<vmem>>, vector<16xi32>,
      %get3A_629 = vector.shape_cast %get3A_628 : vector<16xi32> to vector<16xi32>
      %mul3A_630 = arith.constant 32 : i32
      %mul3A_631 = arith.muli %scan3A_613, %mul3A_630 : i32
      %add3A_632 = arith.constant 16 : i32
      %add3A_633 = arith.addi %mul3A_631, %add3A_632 : i32
      %get3A_634 = arith.constant 0 : i32
      %get3A_635 = tpu.memref_slice %arg5[%scan3A, %get3A_634] : memref<2x16384xf32, #tpu.memory_space<vmem>> -> memref<1x16384xf32, #tpu.memory_space<vmem>>
      %get3A_636 = tpu.memref_squeeze %get3A_635 : memref<1x16384xf32, #tpu.memory_space<vmem>> -> memref<16384xf32, #tpu.memory_space<vmem>>
      %get3A_637 = arith.index_cast %add3A_633 : i32 to index
      %get3A_638 = tpu.vector_load %get3A_636[%get3A_637] {strides = array<i32>} : memref<16384xf32, #tpu.memory_space<vmem>>, vector<16xf32>,
      %get3A_639 = vector.shape_cast %get3A_638 : vector<16xf32> to vector<16xf32>
      %mul3A_640 = arith.constant 32 : i32
      %mul3A_641 = arith.muli %scan3A_613, %mul3A_640 : i32
      %add3A_642 = arith.constant 16 : i32
      %add3A_643 = arith.addi %mul3A_641, %add3A_642 : i32
      %get3A_644 = arith.constant 0 : i32
      %get3A_645 = tpu.memref_slice %arg6[%scan3A_42, %get3A_644] : memref<2x16384xi32, #tpu.memory_space<vmem>> -> memref<1x16384xi32, #tpu.memory_space<vmem>>
      %get3A_646 = tpu.memref_squeeze %get3A_645 : memref<1x16384xi32, #tpu.memory_space<vmem>> -> memref<16384xi32, #tpu.memory_space<vmem>>
      %get3A_647 = arith.index_cast %add3A_643 : i32 to index
      %get3A_648 = tpu.vector_load %get3A_646[%get3A_647] {strides = array<i32>} : memref<16384xi32, #tpu.memory_space<vmem>>, vector<16xi32>,
      %get3A_649 = vector.shape_cast %get3A_648 : vector<16xi32> to vector<16xi32>
      %convert_element_type3A_650 = arith.sitofp %get3A_629 : vector<16xi32> to vector<16xf32>
      %max3A_651 = arith.constant 0.000000e+00 : f32
      %max3A_652 = vector.broadcast %max3A_651 : f32 to vector<16xf32>
      %max3A_653 = arith.maximumf %convert_element_type3A_650, %max3A_652 : vector<16xf32>
      %add3A_654 = arith.constant 1.000000e+00 : f32
      %add3A_655 = vector.broadcast %add3A_654 : f32 to vector<16xf32>
      %add3A_656 = arith.addf %convert_element_type3A_650, %add3A_655 : vector<16xf32>
      %min3A_657 = arith.constant 1.000000e+00 : f32
      %min3A_658 = vector.broadcast %min3A_657 : f32 to vector<16xf32>
      %min3A_659 = arith.minimumf %add3A_656, %min3A_658 : vector<16xf32>
      %abs3A_660 = math.absf %get3A_621 : vector<16xf32>
      %neg3A_661 = arith.constant 0.000000e+00 : f32
      %neg3A_662 = vector.broadcast %neg3A_661 : f32 to vector<16xf32>
      %neg3A_663 = arith.subf %neg3A_662, %abs3A_660 : vector<16xf32>
      %exp3A_664 = math.exp %neg3A_663 : vector<16xf32>
      %max3A_665 = arith.constant 0.000000e+00 : f32
      %max3A_666 = vector.broadcast %max3A_665 : f32 to vector<16xf32>
      %max3A_667 = arith.maximumf %get3A_621, %max3A_666 : vector<16xf32>
      %broadcast_in_dim3A_668 = arith.constant -1.720780e-02 : f32
      %broadcast_in_dim3A_669 = vector.broadcast %broadcast_in_dim3A_668 : f32 to vector<16xf32>
      %mul3A_670 = arith.mulf %broadcast_in_dim3A_669, %exp3A_664 : vector<16xf32>
      %add3A_671 = arith.constant 0.0817256421 : f32
      %add3A_672 = vector.broadcast %add3A_671 : f32 to vector<16xf32>
      %add3A_673 = arith.addf %mul3A_670, %add3A_672 : vector<16xf32>
      %mul3A_674 = arith.mulf %add3A_673, %exp3A_664 : vector<16xf32>
      %add3A_675 = arith.constant -0.188780829 : f32
      %add3A_676 = vector.broadcast %add3A_675 : f32 to vector<16xf32>
      %add3A_677 = arith.addf %mul3A_674, %add3A_676 : vector<16xf32>
      %mul3A_678 = arith.mulf %add3A_677, %exp3A_664 : vector<16xf32>
      %add3A_679 = arith.constant 0.314589173 : f32
      %add3A_680 = vector.broadcast %add3A_679 : f32 to vector<16xf32>
      %add3A_681 = arith.addf %mul3A_678, %add3A_680 : vector<16xf32>
      %mul3A_682 = arith.mulf %add3A_681, %exp3A_664 : vector<16xf32>
      %add3A_683 = arith.constant -0.496977419 : f32
      %add3A_684 = vector.broadcast %add3A_683 : f32 to vector<16xf32>
      %add3A_685 = arith.addf %mul3A_682, %add3A_684 : vector<16xf32>
      %mul3A_686 = arith.mulf %add3A_685, %exp3A_664 : vector<16xf32>
      %add3A_687 = arith.constant 0.999792337 : f32
      %add3A_688 = vector.broadcast %add3A_687 : f32 to vector<16xf32>
      %add3A_689 = arith.addf %mul3A_686, %add3A_688 : vector<16xf32>
      %mul3A_690 = arith.mulf %add3A_689, %exp3A_664 : vector<16xf32>
      %add3A_691 = arith.constant 3.5110213E-6 : f32
      %add3A_692 = vector.broadcast %add3A_691 : f32 to vector<16xf32>
      %add3A_693 = arith.addf %mul3A_690, %add3A_692 : vector<16xf32>
      %add3A_694 = arith.addf %max3A_667, %add3A_693 : vector<16xf32>
      %mul3A_695 = arith.mulf %min3A_659, %add3A_694 : vector<16xf32>
      %mul3A_696 = arith.mulf %get3A_621, %max3A_653 : vector<16xf32>
      %sub3A_697 = arith.subf %mul3A_695, %mul3A_696 : vector<16xf32>
      %convert_element_type3A_698 = arith.sitofp %get3A_649 : vector<16xi32> to vector<16xf32>
      %max3A_699 = arith.constant 0.000000e+00 : f32
      %max3A_700 = vector.broadcast %max3A_699 : f32 to vector<16xf32>
      %max3A_701 = arith.maximumf %convert_element_type3A_698, %max3A_700 : vector<16xf32>
      %add3A_702 = arith.constant 1.000000e+00 : f32
      %add3A_703 = vector.broadcast %add3A_702 : f32 to vector<16xf32>
      %add3A_704 = arith.addf %convert_element_type3A_698, %add3A_703 : vector<16xf32>
      %min3A_705 = arith.constant 1.000000e+00 : f32
      %min3A_706 = vector.broadcast %min3A_705 : f32 to vector<16xf32>
      %min3A_707 = arith.minimumf %add3A_704, %min3A_706 : vector<16xf32>
      %abs3A_708 = math.absf %get3A_639 : vector<16xf32>
      %neg3A_709 = arith.constant 0.000000e+00 : f32
      %neg3A_710 = vector.broadcast %neg3A_709 : f32 to vector<16xf32>
      %neg3A_711 = arith.subf %neg3A_710, %abs3A_708 : vector<16xf32>
      %exp3A_712 = math.exp %neg3A_711 : vector<16xf32>
      %max3A_713 = arith.constant 0.000000e+00 : f32
      %max3A_714 = vector.broadcast %max3A_713 : f32 to vector<16xf32>
      %max3A_715 = arith.maximumf %get3A_639, %max3A_714 : vector<16xf32>
      %broadcast_in_dim3A_716 = arith.constant -1.720780e-02 : f32
      %broadcast_in_dim3A_717 = vector.broadcast %broadcast_in_dim3A_716 : f32 to vector<16xf32>
      %mul3A_718 = arith.mulf %broadcast_in_dim3A_717, %exp3A_712 : vector<16xf32>
      %add3A_719 = arith.constant 0.0817256421 : f32
      %add3A_720 = vector.broadcast %add3A_719 : f32 to vector<16xf32>
      %add3A_721 = arith.addf %mul3A_718, %add3A_720 : vector<16xf32>
      %mul3A_722 = arith.mulf %add3A_721, %exp3A_712 : vector<16xf32>
      %add3A_723 = arith.constant -0.188780829 : f32
      %add3A_724 = vector.broadcast %add3A_723 : f32 to vector<16xf32>
      %add3A_725 = arith.addf %mul3A_722, %add3A_724 : vector<16xf32>
      %mul3A_726 = arith.mulf %add3A_725, %exp3A_712 : vector<16xf32>
      %add3A_727 = arith.constant 0.314589173 : f32
      %add3A_728 = vector.broadcast %add3A_727 : f32 to vector<16xf32>
      %add3A_729 = arith.addf %mul3A_726, %add3A_728 : vector<16xf32>
      %mul3A_730 = arith.mulf %add3A_729, %exp3A_712 : vector<16xf32>
      %add3A_731 = arith.constant -0.496977419 : f32
      %add3A_732 = vector.broadcast %add3A_731 : f32 to vector<16xf32>
      %add3A_733 = arith.addf %mul3A_730, %add3A_732 : vector<16xf32>
      %mul3A_734 = arith.mulf %add3A_733, %exp3A_712 : vector<16xf32>
      %add3A_735 = arith.constant 0.999792337 : f32
      %add3A_736 = vector.broadcast %add3A_735 : f32 to vector<16xf32>
      %add3A_737 = arith.addf %mul3A_734, %add3A_736 : vector<16xf32>
      %mul3A_738 = arith.mulf %add3A_737, %exp3A_712 : vector<16xf32>
      %add3A_739 = arith.constant 3.5110213E-6 : f32
      %add3A_740 = vector.broadcast %add3A_739 : f32 to vector<16xf32>
      %add3A_741 = arith.addf %mul3A_738, %add3A_740 : vector<16xf32>
      %add3A_742 = arith.addf %max3A_715, %add3A_741 : vector<16xf32>
      %mul3A_743 = arith.mulf %min3A_707, %add3A_742 : vector<16xf32>
      %mul3A_744 = arith.mulf %get3A_639, %max3A_701 : vector<16xf32>
      %sub3A_745 = arith.subf %mul3A_743, %mul3A_744 : vector<16xf32>
      %add3A_746 = arith.addf %add3A_608, %sub3A_697 : vector<16xf32>
      %add3A_747 = arith.addf %add3A_609, %min3A_659 : vector<16xf32>
      %add3A_748 = arith.addf %add3A_610, %sub3A_745 : vector<16xf32>
      %add3A_749 = arith.addf %add3A_611, %min3A_707 : vector<16xf32>
      %scan3A_750 = arith.constant 5 : i32
      %scan3A_751 = arith.addi %scan3A_65, %scan3A_750 : i32
      %mul3A_752 = arith.constant 32 : i32
      %mul3A_753 = arith.muli %scan3A_751, %mul3A_752 : i32
      %get3A_754 = arith.constant 0 : i32
      %get3A_755 = tpu.memref_slice %arg5[%scan3A, %get3A_754] : memref<2x16384xf32, #tpu.memory_space<vmem>> -> memref<1x16384xf32, #tpu.memory_space<vmem>>
      %get3A_756 = tpu.memref_squeeze %get3A_755 : memref<1x16384xf32, #tpu.memory_space<vmem>> -> memref<16384xf32, #tpu.memory_space<vmem>>
      %get3A_757 = arith.index_cast %mul3A_753 : i32 to index
      %get3A_758 = tpu.vector_load %get3A_756[%get3A_757] {strides = array<i32>} : memref<16384xf32, #tpu.memory_space<vmem>>, vector<16xf32>,
      %get3A_759 = vector.shape_cast %get3A_758 : vector<16xf32> to vector<16xf32>
      %mul3A_760 = arith.constant 32 : i32
      %mul3A_761 = arith.muli %scan3A_751, %mul3A_760 : i32
      %get3A_762 = arith.constant 0 : i32
      %get3A_763 = tpu.memref_slice %arg6[%scan3A_42, %get3A_762] : memref<2x16384xi32, #tpu.memory_space<vmem>> -> memref<1x16384xi32, #tpu.memory_space<vmem>>
      %get3A_764 = tpu.memref_squeeze %get3A_763 : memref<1x16384xi32, #tpu.memory_space<vmem>> -> memref<16384xi32, #tpu.memory_space<vmem>>
      %get3A_765 = arith.index_cast %mul3A_761 : i32 to index
      %get3A_766 = tpu.vector_load %get3A_764[%get3A_765] {strides = array<i32>} : memref<16384xi32, #tpu.memory_space<vmem>>, vector<16xi32>,
      %get3A_767 = vector.shape_cast %get3A_766 : vector<16xi32> to vector<16xi32>
      %mul3A_768 = arith.constant 32 : i32
      %mul3A_769 = arith.muli %scan3A_751, %mul3A_768 : i32
      %add3A_770 = arith.constant 16 : i32
      %add3A_771 = arith.addi %mul3A_769, %add3A_770 : i32
      %get3A_772 = arith.constant 0 : i32
      %get3A_773 = tpu.memref_slice %arg5[%scan3A, %get3A_772] : memref<2x16384xf32, #tpu.memory_space<vmem>> -> memref<1x16384xf32, #tpu.memory_space<vmem>>
      %get3A_774 = tpu.memref_squeeze %get3A_773 : memref<1x16384xf32, #tpu.memory_space<vmem>> -> memref<16384xf32, #tpu.memory_space<vmem>>
      %get3A_775 = arith.index_cast %add3A_771 : i32 to index
      %get3A_776 = tpu.vector_load %get3A_774[%get3A_775] {strides = array<i32>} : memref<16384xf32, #tpu.memory_space<vmem>>, vector<16xf32>,
      %get3A_777 = vector.shape_cast %get3A_776 : vector<16xf32> to vector<16xf32>
      %mul3A_778 = arith.constant 32 : i32
      %mul3A_779 = arith.muli %scan3A_751, %mul3A_778 : i32
      %add3A_780 = arith.constant 16 : i32
      %add3A_781 = arith.addi %mul3A_779, %add3A_780 : i32
      %get3A_782 = arith.constant 0 : i32
      %get3A_783 = tpu.memref_slice %arg6[%scan3A_42, %get3A_782] : memref<2x16384xi32, #tpu.memory_space<vmem>> -> memref<1x16384xi32, #tpu.memory_space<vmem>>
      %get3A_784 = tpu.memref_squeeze %get3A_783 : memref<1x16384xi32, #tpu.memory_space<vmem>> -> memref<16384xi32, #tpu.memory_space<vmem>>
      %get3A_785 = arith.index_cast %add3A_781 : i32 to index
      %get3A_786 = tpu.vector_load %get3A_784[%get3A_785] {strides = array<i32>} : memref<16384xi32, #tpu.memory_space<vmem>>, vector<16xi32>,
      %get3A_787 = vector.shape_cast %get3A_786 : vector<16xi32> to vector<16xi32>
      %convert_element_type3A_788 = arith.sitofp %get3A_767 : vector<16xi32> to vector<16xf32>
      %max3A_789 = arith.constant 0.000000e+00 : f32
      %max3A_790 = vector.broadcast %max3A_789 : f32 to vector<16xf32>
      %max3A_791 = arith.maximumf %convert_element_type3A_788, %max3A_790 : vector<16xf32>
      %add3A_792 = arith.constant 1.000000e+00 : f32
      %add3A_793 = vector.broadcast %add3A_792 : f32 to vector<16xf32>
      %add3A_794 = arith.addf %convert_element_type3A_788, %add3A_793 : vector<16xf32>
      %min3A_795 = arith.constant 1.000000e+00 : f32
      %min3A_796 = vector.broadcast %min3A_795 : f32 to vector<16xf32>
      %min3A_797 = arith.minimumf %add3A_794, %min3A_796 : vector<16xf32>
      %abs3A_798 = math.absf %get3A_759 : vector<16xf32>
      %neg3A_799 = arith.constant 0.000000e+00 : f32
      %neg3A_800 = vector.broadcast %neg3A_799 : f32 to vector<16xf32>
      %neg3A_801 = arith.subf %neg3A_800, %abs3A_798 : vector<16xf32>
      %exp3A_802 = math.exp %neg3A_801 : vector<16xf32>
      %max3A_803 = arith.constant 0.000000e+00 : f32
      %max3A_804 = vector.broadcast %max3A_803 : f32 to vector<16xf32>
      %max3A_805 = arith.maximumf %get3A_759, %max3A_804 : vector<16xf32>
      %broadcast_in_dim3A_806 = arith.constant -1.720780e-02 : f32
      %broadcast_in_dim3A_807 = vector.broadcast %broadcast_in_dim3A_806 : f32 to vector<16xf32>
      %mul3A_808 = arith.mulf %broadcast_in_dim3A_807, %exp3A_802 : vector<16xf32>
      %add3A_809 = arith.constant 0.0817256421 : f32
      %add3A_810 = vector.broadcast %add3A_809 : f32 to vector<16xf32>
      %add3A_811 = arith.addf %mul3A_808, %add3A_810 : vector<16xf32>
      %mul3A_812 = arith.mulf %add3A_811, %exp3A_802 : vector<16xf32>
      %add3A_813 = arith.constant -0.188780829 : f32
      %add3A_814 = vector.broadcast %add3A_813 : f32 to vector<16xf32>
      %add3A_815 = arith.addf %mul3A_812, %add3A_814 : vector<16xf32>
      %mul3A_816 = arith.mulf %add3A_815, %exp3A_802 : vector<16xf32>
      %add3A_817 = arith.constant 0.314589173 : f32
      %add3A_818 = vector.broadcast %add3A_817 : f32 to vector<16xf32>
      %add3A_819 = arith.addf %mul3A_816, %add3A_818 : vector<16xf32>
      %mul3A_820 = arith.mulf %add3A_819, %exp3A_802 : vector<16xf32>
      %add3A_821 = arith.constant -0.496977419 : f32
      %add3A_822 = vector.broadcast %add3A_821 : f32 to vector<16xf32>
      %add3A_823 = arith.addf %mul3A_820, %add3A_822 : vector<16xf32>
      %mul3A_824 = arith.mulf %add3A_823, %exp3A_802 : vector<16xf32>
      %add3A_825 = arith.constant 0.999792337 : f32
      %add3A_826 = vector.broadcast %add3A_825 : f32 to vector<16xf32>
      %add3A_827 = arith.addf %mul3A_824, %add3A_826 : vector<16xf32>
      %mul3A_828 = arith.mulf %add3A_827, %exp3A_802 : vector<16xf32>
      %add3A_829 = arith.constant 3.5110213E-6 : f32
      %add3A_830 = vector.broadcast %add3A_829 : f32 to vector<16xf32>
      %add3A_831 = arith.addf %mul3A_828, %add3A_830 : vector<16xf32>
      %add3A_832 = arith.addf %max3A_805, %add3A_831 : vector<16xf32>
      %mul3A_833 = arith.mulf %min3A_797, %add3A_832 : vector<16xf32>
      %mul3A_834 = arith.mulf %get3A_759, %max3A_791 : vector<16xf32>
      %sub3A_835 = arith.subf %mul3A_833, %mul3A_834 : vector<16xf32>
      %convert_element_type3A_836 = arith.sitofp %get3A_787 : vector<16xi32> to vector<16xf32>
      %max3A_837 = arith.constant 0.000000e+00 : f32
      %max3A_838 = vector.broadcast %max3A_837 : f32 to vector<16xf32>
      %max3A_839 = arith.maximumf %convert_element_type3A_836, %max3A_838 : vector<16xf32>
      %add3A_840 = arith.constant 1.000000e+00 : f32
      %add3A_841 = vector.broadcast %add3A_840 : f32 to vector<16xf32>
      %add3A_842 = arith.addf %convert_element_type3A_836, %add3A_841 : vector<16xf32>
      %min3A_843 = arith.constant 1.000000e+00 : f32
      %min3A_844 = vector.broadcast %min3A_843 : f32 to vector<16xf32>
      %min3A_845 = arith.minimumf %add3A_842, %min3A_844 : vector<16xf32>
      %abs3A_846 = math.absf %get3A_777 : vector<16xf32>
      %neg3A_847 = arith.constant 0.000000e+00 : f32
      %neg3A_848 = vector.broadcast %neg3A_847 : f32 to vector<16xf32>
      %neg3A_849 = arith.subf %neg3A_848, %abs3A_846 : vector<16xf32>
      %exp3A_850 = math.exp %neg3A_849 : vector<16xf32>
      %max3A_851 = arith.constant 0.000000e+00 : f32
      %max3A_852 = vector.broadcast %max3A_851 : f32 to vector<16xf32>
      %max3A_853 = arith.maximumf %get3A_777, %max3A_852 : vector<16xf32>
      %broadcast_in_dim3A_854 = arith.constant -1.720780e-02 : f32
      %broadcast_in_dim3A_855 = vector.broadcast %broadcast_in_dim3A_854 : f32 to vector<16xf32>
      %mul3A_856 = arith.mulf %broadcast_in_dim3A_855, %exp3A_850 : vector<16xf32>
      %add3A_857 = arith.constant 0.0817256421 : f32
      %add3A_858 = vector.broadcast %add3A_857 : f32 to vector<16xf32>
      %add3A_859 = arith.addf %mul3A_856, %add3A_858 : vector<16xf32>
      %mul3A_860 = arith.mulf %add3A_859, %exp3A_850 : vector<16xf32>
      %add3A_861 = arith.constant -0.188780829 : f32
      %add3A_862 = vector.broadcast %add3A_861 : f32 to vector<16xf32>
      %add3A_863 = arith.addf %mul3A_860, %add3A_862 : vector<16xf32>
      %mul3A_864 = arith.mulf %add3A_863, %exp3A_850 : vector<16xf32>
      %add3A_865 = arith.constant 0.314589173 : f32
      %add3A_866 = vector.broadcast %add3A_865 : f32 to vector<16xf32>
      %add3A_867 = arith.addf %mul3A_864, %add3A_866 : vector<16xf32>
      %mul3A_868 = arith.mulf %add3A_867, %exp3A_850 : vector<16xf32>
      %add3A_869 = arith.constant -0.496977419 : f32
      %add3A_870 = vector.broadcast %add3A_869 : f32 to vector<16xf32>
      %add3A_871 = arith.addf %mul3A_868, %add3A_870 : vector<16xf32>
      %mul3A_872 = arith.mulf %add3A_871, %exp3A_850 : vector<16xf32>
      %add3A_873 = arith.constant 0.999792337 : f32
      %add3A_874 = vector.broadcast %add3A_873 : f32 to vector<16xf32>
      %add3A_875 = arith.addf %mul3A_872, %add3A_874 : vector<16xf32>
      %mul3A_876 = arith.mulf %add3A_875, %exp3A_850 : vector<16xf32>
      %add3A_877 = arith.constant 3.5110213E-6 : f32
      %add3A_878 = vector.broadcast %add3A_877 : f32 to vector<16xf32>
      %add3A_879 = arith.addf %mul3A_876, %add3A_878 : vector<16xf32>
      %add3A_880 = arith.addf %max3A_853, %add3A_879 : vector<16xf32>
      %mul3A_881 = arith.mulf %min3A_845, %add3A_880 : vector<16xf32>
      %mul3A_882 = arith.mulf %get3A_777, %max3A_839 : vector<16xf32>
      %sub3A_883 = arith.subf %mul3A_881, %mul3A_882 : vector<16xf32>
      %add3A_884 = arith.addf %add3A_746, %sub3A_835 : vector<16xf32>
      %add3A_885 = arith.addf %add3A_747, %min3A_797 : vector<16xf32>
      %add3A_886 = arith.addf %add3A_748, %sub3A_883 : vector<16xf32>
      %add3A_887 = arith.addf %add3A_749, %min3A_845 : vector<16xf32>
      %scan3A_888 = arith.constant 6 : i32
      %scan3A_889 = arith.addi %scan3A_65, %scan3A_888 : i32
      %mul3A_890 = arith.constant 32 : i32
      %mul3A_891 = arith.muli %scan3A_889, %mul3A_890 : i32
      %get3A_892 = arith.constant 0 : i32
      %get3A_893 = tpu.memref_slice %arg5[%scan3A, %get3A_892] : memref<2x16384xf32, #tpu.memory_space<vmem>> -> memref<1x16384xf32, #tpu.memory_space<vmem>>
      %get3A_894 = tpu.memref_squeeze %get3A_893 : memref<1x16384xf32, #tpu.memory_space<vmem>> -> memref<16384xf32, #tpu.memory_space<vmem>>
      %get3A_895 = arith.index_cast %mul3A_891 : i32 to index
      %get3A_896 = tpu.vector_load %get3A_894[%get3A_895] {strides = array<i32>} : memref<16384xf32, #tpu.memory_space<vmem>>, vector<16xf32>,
      %get3A_897 = vector.shape_cast %get3A_896 : vector<16xf32> to vector<16xf32>
      %mul3A_898 = arith.constant 32 : i32
      %mul3A_899 = arith.muli %scan3A_889, %mul3A_898 : i32
      %get3A_900 = arith.constant 0 : i32
      %get3A_901 = tpu.memref_slice %arg6[%scan3A_42, %get3A_900] : memref<2x16384xi32, #tpu.memory_space<vmem>> -> memref<1x16384xi32, #tpu.memory_space<vmem>>
      %get3A_902 = tpu.memref_squeeze %get3A_901 : memref<1x16384xi32, #tpu.memory_space<vmem>> -> memref<16384xi32, #tpu.memory_space<vmem>>
      %get3A_903 = arith.index_cast %mul3A_899 : i32 to index
      %get3A_904 = tpu.vector_load %get3A_902[%get3A_903] {strides = array<i32>} : memref<16384xi32, #tpu.memory_space<vmem>>, vector<16xi32>,
      %get3A_905 = vector.shape_cast %get3A_904 : vector<16xi32> to vector<16xi32>
      %mul3A_906 = arith.constant 32 : i32
      %mul3A_907 = arith.muli %scan3A_889, %mul3A_906 : i32
      %add3A_908 = arith.constant 16 : i32
      %add3A_909 = arith.addi %mul3A_907, %add3A_908 : i32
      %get3A_910 = arith.constant 0 : i32
      %get3A_911 = tpu.memref_slice %arg5[%scan3A, %get3A_910] : memref<2x16384xf32, #tpu.memory_space<vmem>> -> memref<1x16384xf32, #tpu.memory_space<vmem>>
      %get3A_912 = tpu.memref_squeeze %get3A_911 : memref<1x16384xf32, #tpu.memory_space<vmem>> -> memref<16384xf32, #tpu.memory_space<vmem>>
      %get3A_913 = arith.index_cast %add3A_909 : i32 to index
      %get3A_914 = tpu.vector_load %get3A_912[%get3A_913] {strides = array<i32>} : memref<16384xf32, #tpu.memory_space<vmem>>, vector<16xf32>,
      %get3A_915 = vector.shape_cast %get3A_914 : vector<16xf32> to vector<16xf32>
      %mul3A_916 = arith.constant 32 : i32
      %mul3A_917 = arith.muli %scan3A_889, %mul3A_916 : i32
      %add3A_918 = arith.constant 16 : i32
      %add3A_919 = arith.addi %mul3A_917, %add3A_918 : i32
      %get3A_920 = arith.constant 0 : i32
      %get3A_921 = tpu.memref_slice %arg6[%scan3A_42, %get3A_920] : memref<2x16384xi32, #tpu.memory_space<vmem>> -> memref<1x16384xi32, #tpu.memory_space<vmem>>
      %get3A_922 = tpu.memref_squeeze %get3A_921 : memref<1x16384xi32, #tpu.memory_space<vmem>> -> memref<16384xi32, #tpu.memory_space<vmem>>
      %get3A_923 = arith.index_cast %add3A_919 : i32 to index
      %get3A_924 = tpu.vector_load %get3A_922[%get3A_923] {strides = array<i32>} : memref<16384xi32, #tpu.memory_space<vmem>>, vector<16xi32>,
      %get3A_925 = vector.shape_cast %get3A_924 : vector<16xi32> to vector<16xi32>
      %convert_element_type3A_926 = arith.sitofp %get3A_905 : vector<16xi32> to vector<16xf32>
      %max3A_927 = arith.constant 0.000000e+00 : f32
      %max3A_928 = vector.broadcast %max3A_927 : f32 to vector<16xf32>
      %max3A_929 = arith.maximumf %convert_element_type3A_926, %max3A_928 : vector<16xf32>
      %add3A_930 = arith.constant 1.000000e+00 : f32
      %add3A_931 = vector.broadcast %add3A_930 : f32 to vector<16xf32>
      %add3A_932 = arith.addf %convert_element_type3A_926, %add3A_931 : vector<16xf32>
      %min3A_933 = arith.constant 1.000000e+00 : f32
      %min3A_934 = vector.broadcast %min3A_933 : f32 to vector<16xf32>
      %min3A_935 = arith.minimumf %add3A_932, %min3A_934 : vector<16xf32>
      %abs3A_936 = math.absf %get3A_897 : vector<16xf32>
      %neg3A_937 = arith.constant 0.000000e+00 : f32
      %neg3A_938 = vector.broadcast %neg3A_937 : f32 to vector<16xf32>
      %neg3A_939 = arith.subf %neg3A_938, %abs3A_936 : vector<16xf32>
      %exp3A_940 = math.exp %neg3A_939 : vector<16xf32>
      %max3A_941 = arith.constant 0.000000e+00 : f32
      %max3A_942 = vector.broadcast %max3A_941 : f32 to vector<16xf32>
      %max3A_943 = arith.maximumf %get3A_897, %max3A_942 : vector<16xf32>
      %broadcast_in_dim3A_944 = arith.constant -1.720780e-02 : f32
      %broadcast_in_dim3A_945 = vector.broadcast %broadcast_in_dim3A_944 : f32 to vector<16xf32>
      %mul3A_946 = arith.mulf %broadcast_in_dim3A_945, %exp3A_940 : vector<16xf32>
      %add3A_947 = arith.constant 0.0817256421 : f32
      %add3A_948 = vector.broadcast %add3A_947 : f32 to vector<16xf32>
      %add3A_949 = arith.addf %mul3A_946, %add3A_948 : vector<16xf32>
      %mul3A_950 = arith.mulf %add3A_949, %exp3A_940 : vector<16xf32>
      %add3A_951 = arith.constant -0.188780829 : f32
      %add3A_952 = vector.broadcast %add3A_951 : f32 to vector<16xf32>
      %add3A_953 = arith.addf %mul3A_950, %add3A_952 : vector<16xf32>
      %mul3A_954 = arith.mulf %add3A_953, %exp3A_940 : vector<16xf32>
      %add3A_955 = arith.constant 0.314589173 : f32
      %add3A_956 = vector.broadcast %add3A_955 : f32 to vector<16xf32>
      %add3A_957 = arith.addf %mul3A_954, %add3A_956 : vector<16xf32>
      %mul3A_958 = arith.mulf %add3A_957, %exp3A_940 : vector<16xf32>
      %add3A_959 = arith.constant -0.496977419 : f32
      %add3A_960 = vector.broadcast %add3A_959 : f32 to vector<16xf32>
      %add3A_961 = arith.addf %mul3A_958, %add3A_960 : vector<16xf32>
      %mul3A_962 = arith.mulf %add3A_961, %exp3A_940 : vector<16xf32>
      %add3A_963 = arith.constant 0.999792337 : f32
      %add3A_964 = vector.broadcast %add3A_963 : f32 to vector<16xf32>
      %add3A_965 = arith.addf %mul3A_962, %add3A_964 : vector<16xf32>
      %mul3A_966 = arith.mulf %add3A_965, %exp3A_940 : vector<16xf32>
      %add3A_967 = arith.constant 3.5110213E-6 : f32
      %add3A_968 = vector.broadcast %add3A_967 : f32 to vector<16xf32>
      %add3A_969 = arith.addf %mul3A_966, %add3A_968 : vector<16xf32>
      %add3A_970 = arith.addf %max3A_943, %add3A_969 : vector<16xf32>
      %mul3A_971 = arith.mulf %min3A_935, %add3A_970 : vector<16xf32>
      %mul3A_972 = arith.mulf %get3A_897, %max3A_929 : vector<16xf32>
      %sub3A_973 = arith.subf %mul3A_971, %mul3A_972 : vector<16xf32>
      %convert_element_type3A_974 = arith.sitofp %get3A_925 : vector<16xi32> to vector<16xf32>
      %max3A_975 = arith.constant 0.000000e+00 : f32
      %max3A_976 = vector.broadcast %max3A_975 : f32 to vector<16xf32>
      %max3A_977 = arith.maximumf %convert_element_type3A_974, %max3A_976 : vector<16xf32>
      %add3A_978 = arith.constant 1.000000e+00 : f32
      %add3A_979 = vector.broadcast %add3A_978 : f32 to vector<16xf32>
      %add3A_980 = arith.addf %convert_element_type3A_974, %add3A_979 : vector<16xf32>
      %min3A_981 = arith.constant 1.000000e+00 : f32
      %min3A_982 = vector.broadcast %min3A_981 : f32 to vector<16xf32>
      %min3A_983 = arith.minimumf %add3A_980, %min3A_982 : vector<16xf32>
      %abs3A_984 = math.absf %get3A_915 : vector<16xf32>
      %neg3A_985 = arith.constant 0.000000e+00 : f32
      %neg3A_986 = vector.broadcast %neg3A_985 : f32 to vector<16xf32>
      %neg3A_987 = arith.subf %neg3A_986, %abs3A_984 : vector<16xf32>
      %exp3A_988 = math.exp %neg3A_987 : vector<16xf32>
      %max3A_989 = arith.constant 0.000000e+00 : f32
      %max3A_990 = vector.broadcast %max3A_989 : f32 to vector<16xf32>
      %max3A_991 = arith.maximumf %get3A_915, %max3A_990 : vector<16xf32>
      %broadcast_in_dim3A_992 = arith.constant -1.720780e-02 : f32
      %broadcast_in_dim3A_993 = vector.broadcast %broadcast_in_dim3A_992 : f32 to vector<16xf32>
      %mul3A_994 = arith.mulf %broadcast_in_dim3A_993, %exp3A_988 : vector<16xf32>
      %add3A_995 = arith.constant 0.0817256421 : f32
      %add3A_996 = vector.broadcast %add3A_995 : f32 to vector<16xf32>
      %add3A_997 = arith.addf %mul3A_994, %add3A_996 : vector<16xf32>
      %mul3A_998 = arith.mulf %add3A_997, %exp3A_988 : vector<16xf32>
      %add3A_999 = arith.constant -0.188780829 : f32
      %add3A_1000 = vector.broadcast %add3A_999 : f32 to vector<16xf32>
      %add3A_1001 = arith.addf %mul3A_998, %add3A_1000 : vector<16xf32>
      %mul3A_1002 = arith.mulf %add3A_1001, %exp3A_988 : vector<16xf32>
      %add3A_1003 = arith.constant 0.314589173 : f32
      %add3A_1004 = vector.broadcast %add3A_1003 : f32 to vector<16xf32>
      %add3A_1005 = arith.addf %mul3A_1002, %add3A_1004 : vector<16xf32>
      %mul3A_1006 = arith.mulf %add3A_1005, %exp3A_988 : vector<16xf32>
      %add3A_1007 = arith.constant -0.496977419 : f32
      %add3A_1008 = vector.broadcast %add3A_1007 : f32 to vector<16xf32>
      %add3A_1009 = arith.addf %mul3A_1006, %add3A_1008 : vector<16xf32>
      %mul3A_1010 = arith.mulf %add3A_1009, %exp3A_988 : vector<16xf32>
      %add3A_1011 = arith.constant 0.999792337 : f32
      %add3A_1012 = vector.broadcast %add3A_1011 : f32 to vector<16xf32>
      %add3A_1013 = arith.addf %mul3A_1010, %add3A_1012 : vector<16xf32>
      %mul3A_1014 = arith.mulf %add3A_1013, %exp3A_988 : vector<16xf32>
      %add3A_1015 = arith.constant 3.5110213E-6 : f32
      %add3A_1016 = vector.broadcast %add3A_1015 : f32 to vector<16xf32>
      %add3A_1017 = arith.addf %mul3A_1014, %add3A_1016 : vector<16xf32>
      %add3A_1018 = arith.addf %max3A_991, %add3A_1017 : vector<16xf32>
      %mul3A_1019 = arith.mulf %min3A_983, %add3A_1018 : vector<16xf32>
      %mul3A_1020 = arith.mulf %get3A_915, %max3A_977 : vector<16xf32>
      %sub3A_1021 = arith.subf %mul3A_1019, %mul3A_1020 : vector<16xf32>
      %add3A_1022 = arith.addf %add3A_884, %sub3A_973 : vector<16xf32>
      %add3A_1023 = arith.addf %add3A_885, %min3A_935 : vector<16xf32>
      %add3A_1024 = arith.addf %add3A_886, %sub3A_1021 : vector<16xf32>
      %add3A_1025 = arith.addf %add3A_887, %min3A_983 : vector<16xf32>
      %scan3A_1026 = arith.constant 7 : i32
      %scan3A_1027 = arith.addi %scan3A_65, %scan3A_1026 : i32
      %mul3A_1028 = arith.constant 32 : i32
      %mul3A_1029 = arith.muli %scan3A_1027, %mul3A_1028 : i32
      %get3A_1030 = arith.constant 0 : i32
      %get3A_1031 = tpu.memref_slice %arg5[%scan3A, %get3A_1030] : memref<2x16384xf32, #tpu.memory_space<vmem>> -> memref<1x16384xf32, #tpu.memory_space<vmem>>
      %get3A_1032 = tpu.memref_squeeze %get3A_1031 : memref<1x16384xf32, #tpu.memory_space<vmem>> -> memref<16384xf32, #tpu.memory_space<vmem>>
      %get3A_1033 = arith.index_cast %mul3A_1029 : i32 to index
      %get3A_1034 = tpu.vector_load %get3A_1032[%get3A_1033] {strides = array<i32>} : memref<16384xf32, #tpu.memory_space<vmem>>, vector<16xf32>,
      %get3A_1035 = vector.shape_cast %get3A_1034 : vector<16xf32> to vector<16xf32>
      %mul3A_1036 = arith.constant 32 : i32
      %mul3A_1037 = arith.muli %scan3A_1027, %mul3A_1036 : i32
      %get3A_1038 = arith.constant 0 : i32
      %get3A_1039 = tpu.memref_slice %arg6[%scan3A_42, %get3A_1038] : memref<2x16384xi32, #tpu.memory_space<vmem>> -> memref<1x16384xi32, #tpu.memory_space<vmem>>
      %get3A_1040 = tpu.memref_squeeze %get3A_1039 : memref<1x16384xi32, #tpu.memory_space<vmem>> -> memref<16384xi32, #tpu.memory_space<vmem>>
      %get3A_1041 = arith.index_cast %mul3A_1037 : i32 to index
      %get3A_1042 = tpu.vector_load %get3A_1040[%get3A_1041] {strides = array<i32>} : memref<16384xi32, #tpu.memory_space<vmem>>, vector<16xi32>,
      %get3A_1043 = vector.shape_cast %get3A_1042 : vector<16xi32> to vector<16xi32>
      %mul3A_1044 = arith.constant 32 : i32
      %mul3A_1045 = arith.muli %scan3A_1027, %mul3A_1044 : i32
      %add3A_1046 = arith.constant 16 : i32
      %add3A_1047 = arith.addi %mul3A_1045, %add3A_1046 : i32
      %get3A_1048 = arith.constant 0 : i32
      %get3A_1049 = tpu.memref_slice %arg5[%scan3A, %get3A_1048] : memref<2x16384xf32, #tpu.memory_space<vmem>> -> memref<1x16384xf32, #tpu.memory_space<vmem>>
      %get3A_1050 = tpu.memref_squeeze %get3A_1049 : memref<1x16384xf32, #tpu.memory_space<vmem>> -> memref<16384xf32, #tpu.memory_space<vmem>>
      %get3A_1051 = arith.index_cast %add3A_1047 : i32 to index
      %get3A_1052 = tpu.vector_load %get3A_1050[%get3A_1051] {strides = array<i32>} : memref<16384xf32, #tpu.memory_space<vmem>>, vector<16xf32>,
      %get3A_1053 = vector.shape_cast %get3A_1052 : vector<16xf32> to vector<16xf32>
      %mul3A_1054 = arith.constant 32 : i32
      %mul3A_1055 = arith.muli %scan3A_1027, %mul3A_1054 : i32
      %add3A_1056 = arith.constant 16 : i32
      %add3A_1057 = arith.addi %mul3A_1055, %add3A_1056 : i32
      %get3A_1058 = arith.constant 0 : i32
      %get3A_1059 = tpu.memref_slice %arg6[%scan3A_42, %get3A_1058] : memref<2x16384xi32, #tpu.memory_space<vmem>> -> memref<1x16384xi32, #tpu.memory_space<vmem>>
      %get3A_1060 = tpu.memref_squeeze %get3A_1059 : memref<1x16384xi32, #tpu.memory_space<vmem>> -> memref<16384xi32, #tpu.memory_space<vmem>>
      %get3A_1061 = arith.index_cast %add3A_1057 : i32 to index
      %get3A_1062 = tpu.vector_load %get3A_1060[%get3A_1061] {strides = array<i32>} : memref<16384xi32, #tpu.memory_space<vmem>>, vector<16xi32>,
      %get3A_1063 = vector.shape_cast %get3A_1062 : vector<16xi32> to vector<16xi32>
      %convert_element_type3A_1064 = arith.sitofp %get3A_1043 : vector<16xi32> to vector<16xf32>
      %max3A_1065 = arith.constant 0.000000e+00 : f32
      %max3A_1066 = vector.broadcast %max3A_1065 : f32 to vector<16xf32>
      %max3A_1067 = arith.maximumf %convert_element_type3A_1064, %max3A_1066 : vector<16xf32>
      %add3A_1068 = arith.constant 1.000000e+00 : f32
      %add3A_1069 = vector.broadcast %add3A_1068 : f32 to vector<16xf32>
      %add3A_1070 = arith.addf %convert_element_type3A_1064, %add3A_1069 : vector<16xf32>
      %min3A_1071 = arith.constant 1.000000e+00 : f32
      %min3A_1072 = vector.broadcast %min3A_1071 : f32 to vector<16xf32>
      %min3A_1073 = arith.minimumf %add3A_1070, %min3A_1072 : vector<16xf32>
      %abs3A_1074 = math.absf %get3A_1035 : vector<16xf32>
      %neg3A_1075 = arith.constant 0.000000e+00 : f32
      %neg3A_1076 = vector.broadcast %neg3A_1075 : f32 to vector<16xf32>
      %neg3A_1077 = arith.subf %neg3A_1076, %abs3A_1074 : vector<16xf32>
      %exp3A_1078 = math.exp %neg3A_1077 : vector<16xf32>
      %max3A_1079 = arith.constant 0.000000e+00 : f32
      %max3A_1080 = vector.broadcast %max3A_1079 : f32 to vector<16xf32>
      %max3A_1081 = arith.maximumf %get3A_1035, %max3A_1080 : vector<16xf32>
      %broadcast_in_dim3A_1082 = arith.constant -1.720780e-02 : f32
      %broadcast_in_dim3A_1083 = vector.broadcast %broadcast_in_dim3A_1082 : f32 to vector<16xf32>
      %mul3A_1084 = arith.mulf %broadcast_in_dim3A_1083, %exp3A_1078 : vector<16xf32>
      %add3A_1085 = arith.constant 0.0817256421 : f32
      %add3A_1086 = vector.broadcast %add3A_1085 : f32 to vector<16xf32>
      %add3A_1087 = arith.addf %mul3A_1084, %add3A_1086 : vector<16xf32>
      %mul3A_1088 = arith.mulf %add3A_1087, %exp3A_1078 : vector<16xf32>
      %add3A_1089 = arith.constant -0.188780829 : f32
      %add3A_1090 = vector.broadcast %add3A_1089 : f32 to vector<16xf32>
      %add3A_1091 = arith.addf %mul3A_1088, %add3A_1090 : vector<16xf32>
      %mul3A_1092 = arith.mulf %add3A_1091, %exp3A_1078 : vector<16xf32>
      %add3A_1093 = arith.constant 0.314589173 : f32
      %add3A_1094 = vector.broadcast %add3A_1093 : f32 to vector<16xf32>
      %add3A_1095 = arith.addf %mul3A_1092, %add3A_1094 : vector<16xf32>
      %mul3A_1096 = arith.mulf %add3A_1095, %exp3A_1078 : vector<16xf32>
      %add3A_1097 = arith.constant -0.496977419 : f32
      %add3A_1098 = vector.broadcast %add3A_1097 : f32 to vector<16xf32>
      %add3A_1099 = arith.addf %mul3A_1096, %add3A_1098 : vector<16xf32>
      %mul3A_1100 = arith.mulf %add3A_1099, %exp3A_1078 : vector<16xf32>
      %add3A_1101 = arith.constant 0.999792337 : f32
      %add3A_1102 = vector.broadcast %add3A_1101 : f32 to vector<16xf32>
      %add3A_1103 = arith.addf %mul3A_1100, %add3A_1102 : vector<16xf32>
      %mul3A_1104 = arith.mulf %add3A_1103, %exp3A_1078 : vector<16xf32>
      %add3A_1105 = arith.constant 3.5110213E-6 : f32
      %add3A_1106 = vector.broadcast %add3A_1105 : f32 to vector<16xf32>
      %add3A_1107 = arith.addf %mul3A_1104, %add3A_1106 : vector<16xf32>
      %add3A_1108 = arith.addf %max3A_1081, %add3A_1107 : vector<16xf32>
      %mul3A_1109 = arith.mulf %min3A_1073, %add3A_1108 : vector<16xf32>
      %mul3A_1110 = arith.mulf %get3A_1035, %max3A_1067 : vector<16xf32>
      %sub3A_1111 = arith.subf %mul3A_1109, %mul3A_1110 : vector<16xf32>
      %convert_element_type3A_1112 = arith.sitofp %get3A_1063 : vector<16xi32> to vector<16xf32>
      %max3A_1113 = arith.constant 0.000000e+00 : f32
      %max3A_1114 = vector.broadcast %max3A_1113 : f32 to vector<16xf32>
      %max3A_1115 = arith.maximumf %convert_element_type3A_1112, %max3A_1114 : vector<16xf32>
      %add3A_1116 = arith.constant 1.000000e+00 : f32
      %add3A_1117 = vector.broadcast %add3A_1116 : f32 to vector<16xf32>
      %add3A_1118 = arith.addf %convert_element_type3A_1112, %add3A_1117 : vector<16xf32>
      %min3A_1119 = arith.constant 1.000000e+00 : f32
      %min3A_1120 = vector.broadcast %min3A_1119 : f32 to vector<16xf32>
      %min3A_1121 = arith.minimumf %add3A_1118, %min3A_1120 : vector<16xf32>
      %abs3A_1122 = math.absf %get3A_1053 : vector<16xf32>
      %neg3A_1123 = arith.constant 0.000000e+00 : f32
      %neg3A_1124 = vector.broadcast %neg3A_1123 : f32 to vector<16xf32>
      %neg3A_1125 = arith.subf %neg3A_1124, %abs3A_1122 : vector<16xf32>
      %exp3A_1126 = math.exp %neg3A_1125 : vector<16xf32>
      %max3A_1127 = arith.constant 0.000000e+00 : f32
      %max3A_1128 = vector.broadcast %max3A_1127 : f32 to vector<16xf32>
      %max3A_1129 = arith.maximumf %get3A_1053, %max3A_1128 : vector<16xf32>
      %broadcast_in_dim3A_1130 = arith.constant -1.720780e-02 : f32
      %broadcast_in_dim3A_1131 = vector.broadcast %broadcast_in_dim3A_1130 : f32 to vector<16xf32>
      %mul3A_1132 = arith.mulf %broadcast_in_dim3A_1131, %exp3A_1126 : vector<16xf32>
      %add3A_1133 = arith.constant 0.0817256421 : f32
      %add3A_1134 = vector.broadcast %add3A_1133 : f32 to vector<16xf32>
      %add3A_1135 = arith.addf %mul3A_1132, %add3A_1134 : vector<16xf32>
      %mul3A_1136 = arith.mulf %add3A_1135, %exp3A_1126 : vector<16xf32>
      %add3A_1137 = arith.constant -0.188780829 : f32
      %add3A_1138 = vector.broadcast %add3A_1137 : f32 to vector<16xf32>
      %add3A_1139 = arith.addf %mul3A_1136, %add3A_1138 : vector<16xf32>
      %mul3A_1140 = arith.mulf %add3A_1139, %exp3A_1126 : vector<16xf32>
      %add3A_1141 = arith.constant 0.314589173 : f32
      %add3A_1142 = vector.broadcast %add3A_1141 : f32 to vector<16xf32>
      %add3A_1143 = arith.addf %mul3A_1140, %add3A_1142 : vector<16xf32>
      %mul3A_1144 = arith.mulf %add3A_1143, %exp3A_1126 : vector<16xf32>
      %add3A_1145 = arith.constant -0.496977419 : f32
      %add3A_1146 = vector.broadcast %add3A_1145 : f32 to vector<16xf32>
      %add3A_1147 = arith.addf %mul3A_1144, %add3A_1146 : vector<16xf32>
      %mul3A_1148 = arith.mulf %add3A_1147, %exp3A_1126 : vector<16xf32>
      %add3A_1149 = arith.constant 0.999792337 : f32
      %add3A_1150 = vector.broadcast %add3A_1149 : f32 to vector<16xf32>
      %add3A_1151 = arith.addf %mul3A_1148, %add3A_1150 : vector<16xf32>
      %mul3A_1152 = arith.mulf %add3A_1151, %exp3A_1126 : vector<16xf32>
      %add3A_1153 = arith.constant 3.5110213E-6 : f32
      %add3A_1154 = vector.broadcast %add3A_1153 : f32 to vector<16xf32>
      %add3A_1155 = arith.addf %mul3A_1152, %add3A_1154 : vector<16xf32>
      %add3A_1156 = arith.addf %max3A_1129, %add3A_1155 : vector<16xf32>
      %mul3A_1157 = arith.mulf %min3A_1121, %add3A_1156 : vector<16xf32>
      %mul3A_1158 = arith.mulf %get3A_1053, %max3A_1115 : vector<16xf32>
      %sub3A_1159 = arith.subf %mul3A_1157, %mul3A_1158 : vector<16xf32>
      %add3A_1160 = arith.addf %add3A_1022, %sub3A_1111 : vector<16xf32>
      %add3A_1161 = arith.addf %add3A_1023, %min3A_1073 : vector<16xf32>
      %add3A_1162 = arith.addf %add3A_1024, %sub3A_1159 : vector<16xf32>
      %add3A_1163 = arith.addf %add3A_1025, %min3A_1121 : vector<16xf32>
      scf.yield %add3A_1160, %add3A_1161, %add3A_1162, %add3A_1163 : vector<16xf32>, vector<16xf32>, vector<16xf32>, vector<16xf32>
    }
    %scan3A_48 = arith.constant 512 : i32
    %add3A_49 = arith.addf %scan3A_47#0, %scan3A_47#2 : vector<16xf32>
    %swap3A = arith.constant 0 : i32
    %swap3A_50 = arith.index_cast %swap3A : i32 to index
    %swap3A_51 = arith.constant 0 : index
    %swap3A_52 = tpu.vector_load %arg7[%swap3A_50, %swap3A_51] {strides = array<i32>} : memref<2x16xf32, #tpu.memory_space<vmem>>, vector<1x16xf32>,
    %swap3A_53 = vector.shape_cast %swap3A_52 : vector<1x16xf32> to vector<16xf32>
    %swap3A_54 = vector.shape_cast %add3A_49 : vector<16xf32> to vector<1x16xf32>
    tpu.vector_store %arg7[%swap3A_50, %swap3A_51], %swap3A_54 {strides = array<i32>} : memref<2x16xf32, #tpu.memory_space<vmem>>, vector<1x16xf32>,
    %add3A_55 = arith.addf %scan3A_47#1, %scan3A_47#3 : vector<16xf32>
    %swap3A_56 = arith.constant 1 : i32
    %swap3A_57 = arith.index_cast %swap3A_56 : i32 to index
    %swap3A_58 = arith.constant 0 : index
    %swap3A_59 = tpu.vector_load %arg7[%swap3A_57, %swap3A_58] {strides = array<i32>} : memref<2x16xf32, #tpu.memory_space<vmem>>, vector<1x16xf32>,
    %swap3A_60 = vector.shape_cast %swap3A_59 : vector<1x16xf32> to vector<16xf32>
    %swap3A_61 = vector.shape_cast %add3A_55 : vector<16xf32> to vector<1x16xf32>
    tpu.vector_store %arg7[%swap3A_57, %swap3A_58], %swap3A_61 {strides = array<i32>} : memref<2x16xf32, #tpu.memory_space<vmem>>, vector<1x16xf32>,
    %run_scoped3A = arith.constant 0 : i32
    %run_scoped3A_62 = arith.constant 0 : i32
    "tpu.region"() ({
      %run_scoped3A_65 = tpu.sem_alloc : memref<!tpu.dma_semaphore, #tpu.memory_space<semaphore_mem>>
      %dma_start3A_66 = arith.constant 0 : i32
      %dma_start3A_67 = tpu.memref_slice %arg7[%run_scoped3A, %dma_start3A_66] : memref<2x16xf32, #tpu.memory_space<vmem>> -> memref<1x16xf32, #tpu.memory_space<vmem>>
      %dma_start3A_68 = tpu.memref_squeeze %dma_start3A_67 : memref<1x16xf32, #tpu.memory_space<vmem>> -> memref<16xf32, #tpu.memory_space<vmem>>
      %dma_start3A_69 = arith.constant 0 : i32
      %dma_start3A_70 = tpu.memref_slice %arg4[%run_scoped3A_62, %add3A, %dma_start3A_69] : memref<2x32x16xf32, #tpu.memory_space<hbm>> -> memref<1x1x16xf32, #tpu.memory_space<hbm>>
      %dma_start3A_71 = tpu.memref_squeeze %dma_start3A_70 : memref<1x1x16xf32, #tpu.memory_space<hbm>> -> memref<16xf32, #tpu.memory_space<hbm>>
      %dma_start3A_72 = arith.constant 0 : i32
      %dma_start3A_73 = tpu.memref_slice %arg4[%run_scoped3A_62, %add3A, %dma_start3A_72] : memref<2x32x16xf32, #tpu.memory_space<hbm>> -> memref<1x1x16xf32, #tpu.memory_space<hbm>>
      %dma_start3A_74 = tpu.memref_squeeze %dma_start3A_73 : memref<1x1x16xf32, #tpu.memory_space<hbm>> -> memref<16xf32, #tpu.memory_space<hbm>>
      %dma_start3A_75 = arith.constant 0 : i32
      %dma_start3A_76 = tpu.memref_slice %arg7[%run_scoped3A, %dma_start3A_75] : memref<2x16xf32, #tpu.memory_space<vmem>> -> memref<1x16xf32, #tpu.memory_space<vmem>>
      %dma_start3A_77 = tpu.memref_squeeze %dma_start3A_76 : memref<1x16xf32, #tpu.memory_space<vmem>> -> memref<16xf32, #tpu.memory_space<vmem>>
      tpu.enqueue_dma source(%dma_start3A_77 : memref<16xf32, #tpu.memory_space<vmem>>) target(%dma_start3A_74 : memref<16xf32, #tpu.memory_space<hbm>>) target_semaphore(%run_scoped3A_65 : memref<!tpu.dma_semaphore, #tpu.memory_space<semaphore_mem>>)
      %dma_wait3A_78 = arith.constant 0 : i32
      %dma_wait3A_79 = tpu.memref_slice %arg7[%run_scoped3A, %dma_wait3A_78] : memref<2x16xf32, #tpu.memory_space<vmem>> -> memref<1x16xf32, #tpu.memory_space<vmem>>
      %dma_wait3A_80 = tpu.memref_squeeze %dma_wait3A_79 : memref<1x16xf32, #tpu.memory_space<vmem>> -> memref<16xf32, #tpu.memory_space<vmem>>
      %dma_wait3A_81 = arith.constant 0 : i32
      %dma_wait3A_82 = tpu.memref_slice %arg4[%run_scoped3A_62, %add3A, %dma_wait3A_81] : memref<2x32x16xf32, #tpu.memory_space<hbm>> -> memref<1x1x16xf32, #tpu.memory_space<hbm>>
      %dma_wait3A_83 = tpu.memref_squeeze %dma_wait3A_82 : memref<1x1x16xf32, #tpu.memory_space<hbm>> -> memref<16xf32, #tpu.memory_space<hbm>>
      %dma_wait3A_84 = arith.constant 0 : i32
      %dma_wait3A_85 = tpu.memref_slice %arg4[%run_scoped3A_62, %add3A, %dma_wait3A_84] : memref<2x32x16xf32, #tpu.memory_space<hbm>> -> memref<1x1x16xf32, #tpu.memory_space<hbm>>
      %dma_wait3A_86 = tpu.memref_squeeze %dma_wait3A_85 : memref<1x1x16xf32, #tpu.memory_space<hbm>> -> memref<16xf32, #tpu.memory_space<hbm>>
      %dma_wait3A_87 = arith.constant 0 : i32
      %dma_wait3A_88 = tpu.memref_slice %arg7[%run_scoped3A, %dma_wait3A_87] : memref<2x16xf32, #tpu.memory_space<vmem>> -> memref<1x16xf32, #tpu.memory_space<vmem>>
      %dma_wait3A_89 = tpu.memref_squeeze %dma_wait3A_88 : memref<1x16xf32, #tpu.memory_space<vmem>> -> memref<16xf32, #tpu.memory_space<vmem>>
      tpu.wait_dma2 semaphore(%run_scoped3A_65 : memref<!tpu.dma_semaphore, #tpu.memory_space<semaphore_mem>>) src(%dma_wait3A_89 : memref<16xf32, #tpu.memory_space<vmem>>) dst(%dma_wait3A_86 : memref<16xf32, #tpu.memory_space<hbm>>)
      tpu.yield
    }) : () -> ()
    %run_scoped3A_63 = arith.constant 1 : i32
    %run_scoped3A_64 = arith.constant 1 : i32
    "tpu.region"() ({
      %run_scoped3A_65 = tpu.sem_alloc : memref<!tpu.dma_semaphore, #tpu.memory_space<semaphore_mem>>
      %dma_start3A_66 = arith.constant 0 : i32
      %dma_start3A_67 = tpu.memref_slice %arg7[%run_scoped3A_63, %dma_start3A_66] : memref<2x16xf32, #tpu.memory_space<vmem>> -> memref<1x16xf32, #tpu.memory_space<vmem>>
      %dma_start3A_68 = tpu.memref_squeeze %dma_start3A_67 : memref<1x16xf32, #tpu.memory_space<vmem>> -> memref<16xf32, #tpu.memory_space<vmem>>
      %dma_start3A_69 = arith.constant 0 : i32
      %dma_start3A_70 = tpu.memref_slice %arg4[%run_scoped3A_64, %add3A, %dma_start3A_69] : memref<2x32x16xf32, #tpu.memory_space<hbm>> -> memref<1x1x16xf32, #tpu.memory_space<hbm>>
      %dma_start3A_71 = tpu.memref_squeeze %dma_start3A_70 : memref<1x1x16xf32, #tpu.memory_space<hbm>> -> memref<16xf32, #tpu.memory_space<hbm>>
      %dma_start3A_72 = arith.constant 0 : i32
      %dma_start3A_73 = tpu.memref_slice %arg4[%run_scoped3A_64, %add3A, %dma_start3A_72] : memref<2x32x16xf32, #tpu.memory_space<hbm>> -> memref<1x1x16xf32, #tpu.memory_space<hbm>>
      %dma_start3A_74 = tpu.memref_squeeze %dma_start3A_73 : memref<1x1x16xf32, #tpu.memory_space<hbm>> -> memref<16xf32, #tpu.memory_space<hbm>>
      %dma_start3A_75 = arith.constant 0 : i32
      %dma_start3A_76 = tpu.memref_slice %arg7[%run_scoped3A_63, %dma_start3A_75] : memref<2x16xf32, #tpu.memory_space<vmem>> -> memref<1x16xf32, #tpu.memory_space<vmem>>
      %dma_start3A_77 = tpu.memref_squeeze %dma_start3A_76 : memref<1x16xf32, #tpu.memory_space<vmem>> -> memref<16xf32, #tpu.memory_space<vmem>>
      tpu.enqueue_dma source(%dma_start3A_77 : memref<16xf32, #tpu.memory_space<vmem>>) target(%dma_start3A_74 : memref<16xf32, #tpu.memory_space<hbm>>) target_semaphore(%run_scoped3A_65 : memref<!tpu.dma_semaphore, #tpu.memory_space<semaphore_mem>>)
      %dma_wait3A_78 = arith.constant 0 : i32
      %dma_wait3A_79 = tpu.memref_slice %arg7[%run_scoped3A_63, %dma_wait3A_78] : memref<2x16xf32, #tpu.memory_space<vmem>> -> memref<1x16xf32, #tpu.memory_space<vmem>>
      %dma_wait3A_80 = tpu.memref_squeeze %dma_wait3A_79 : memref<1x16xf32, #tpu.memory_space<vmem>> -> memref<16xf32, #tpu.memory_space<vmem>>
      %dma_wait3A_81 = arith.constant 0 : i32
      %dma_wait3A_82 = tpu.memref_slice %arg4[%run_scoped3A_64, %add3A, %dma_wait3A_81] : memref<2x32x16xf32, #tpu.memory_space<hbm>> -> memref<1x1x16xf32, #tpu.memory_space<hbm>>
      %dma_wait3A_83 = tpu.memref_squeeze %dma_wait3A_82 : memref<1x1x16xf32, #tpu.memory_space<hbm>> -> memref<16xf32, #tpu.memory_space<hbm>>
      %dma_wait3A_84 = arith.constant 0 : i32
      %dma_wait3A_85 = tpu.memref_slice %arg4[%run_scoped3A_64, %add3A, %dma_wait3A_84] : memref<2x32x16xf32, #tpu.memory_space<hbm>> -> memref<1x1x16xf32, #tpu.memory_space<hbm>>
      %dma_wait3A_86 = tpu.memref_squeeze %dma_wait3A_85 : memref<1x1x16xf32, #tpu.memory_space<hbm>> -> memref<16xf32, #tpu.memory_space<hbm>>
      %dma_wait3A_87 = arith.constant 0 : i32
      %dma_wait3A_88 = tpu.memref_slice %arg7[%run_scoped3A_63, %dma_wait3A_87] : memref<2x16xf32, #tpu.memory_space<vmem>> -> memref<1x16xf32, #tpu.memory_space<vmem>>
      %dma_wait3A_89 = tpu.memref_squeeze %dma_wait3A_88 : memref<1x16xf32, #tpu.memory_space<vmem>> -> memref<16xf32, #tpu.memory_space<vmem>>
      tpu.wait_dma2 semaphore(%run_scoped3A_65 : memref<!tpu.dma_semaphore, #tpu.memory_space<semaphore_mem>>) src(%dma_wait3A_89 : memref<16xf32, #tpu.memory_space<vmem>>) dst(%dma_wait3A_86 : memref<16xf32, #tpu.memory_space<hbm>>)
      tpu.yield
    }) : () -> ()
    return
  }
}

module attributes {stable_mosaic.version = 14 : i64} {
  func.func @_tc_body(%arg0: i32, %arg1: memref<1048576xf32, #tpu.memory_space<vmem>>, %arg2: memref<1048576xi32, #tpu.memory_space<vmem>>, %arg3: memref<2xf32, #tpu.memory_space<smem>>, %arg4: memref<2x128x128xf32, #tpu.memory_space<vmem>>) attributes {dimension_semantics = [#tpu.dimension_semantics<arbitrary>], iteration_bounds = array<i64: 7>, scalar_prefetch = 0 : i64, scratch_operands = 1 : i64, tpu.core_type = #tpu.core_type<tc>, window_params = [{transform_indices = @transform_0, window_bounds = array<i64: 1048576>}, {transform_indices = @transform_1, window_bounds = array<i64: 1048576>}, {transform_indices = @transform_2, window_bounds = array<i64: 2>}]} {
    %eq3A = arith.constant 0 : i32
    %eq3A_0 = arith.cmpi eq, %arg0, %eq3A : i32
    %convert_element_type3A = arith.extui %eq3A_0 : i1 to i32
    %cond3A = arith.constant 0 : i32
    %cond3A_1 = arith.cmpi ne, %convert_element_type3A, %cond3A : i32
    scf.if %cond3A_1 {
      %broadcast_in_dim3A_36 = arith.constant 0.000000e+00 : f32
      %broadcast_in_dim3A_37 = vector.broadcast %broadcast_in_dim3A_36 : f32 to vector<2x128x128xf32>
      %swap3A_38 = arith.constant 0 : index
      %swap3A_39 = arith.constant 0 : index
      %swap3A_40 = arith.constant 0 : index
      %swap3A_41 = vector.load %arg4[%swap3A_38, %swap3A_39, %swap3A_40] : memref<2x128x128xf32, #tpu.memory_space<vmem>>, vector<2x128x128xf32>
      tpu.vector_store %arg4[%swap3A_38, %swap3A_39, %swap3A_40], %broadcast_in_dim3A_37 {strides = array<i32>} : memref<2x128x128xf32, #tpu.memory_space<vmem>>, vector<2x128x128xf32>,
    } else {
    }
    %broadcast_in_dim3A = arith.constant 0.000000e+00 : f32
    %broadcast_in_dim3A_2 = vector.broadcast %broadcast_in_dim3A : f32 to vector<128x128xf32>
    %broadcast_in_dim3A_3 = arith.constant 0.000000e+00 : f32
    %broadcast_in_dim3A_4 = vector.broadcast %broadcast_in_dim3A_3 : f32 to vector<128x128xf32>
    %scan3A = arith.constant 0 : i32
    %scan3A_5 = arith.constant 64 : i32
    %scan3A_6 = arith.addi %scan3A, %scan3A_5 : i32
    %scan3A_7 = arith.constant 2 : i32
    %scan3A_8:2 = scf.for %scan3A_36 = %scan3A to %scan3A_6 step %scan3A_7 iter_args(%scan3A_37 = %broadcast_in_dim3A_2, %scan3A_38 = %broadcast_in_dim3A_4) -> (vector<128x128xf32>, vector<128x128xf32>)  : i32 {
      %mul3A = arith.constant 16384 : i32
      %mul3A_39 = arith.muli %scan3A_36, %mul3A : i32
      %get3A_40 = arith.index_cast %mul3A_39 : i32 to index
      %get3A_41 = vector.load %arg1[%get3A_40] : memref<1048576xf32, #tpu.memory_space<vmem>>, vector<16384xf32>
      %reshape3A = vector.shape_cast %get3A_41 : vector<16384xf32> to vector<128x128xf32>
      %mul3A_42 = arith.constant 16384 : i32
      %mul3A_43 = arith.muli %scan3A_36, %mul3A_42 : i32
      %get3A_44 = arith.index_cast %mul3A_43 : i32 to index
      %get3A_45 = vector.load %arg2[%get3A_44] : memref<1048576xi32, #tpu.memory_space<vmem>>, vector<16384xi32>
      %reshape3A_46 = vector.shape_cast %get3A_45 : vector<16384xi32> to vector<128x128xi32>
      %convert_element_type3A_47 = arith.sitofp %reshape3A_46 : vector<128x128xi32> to vector<128x128xf32>
      %max3A = arith.constant 0.000000e+00 : f32
      %max3A_48 = vector.broadcast %max3A : f32 to vector<128x128xf32>
      %max3A_49 = arith.maximumf %convert_element_type3A_47, %max3A_48 : vector<128x128xf32>
      %add3A_50 = arith.constant 1.000000e+00 : f32
      %add3A_51 = vector.broadcast %add3A_50 : f32 to vector<128x128xf32>
      %add3A_52 = arith.addf %convert_element_type3A_47, %add3A_51 : vector<128x128xf32>
      %min3A = arith.constant 1.000000e+00 : f32
      %min3A_53 = vector.broadcast %min3A : f32 to vector<128x128xf32>
      %min3A_54 = arith.minimumf %add3A_52, %min3A_53 : vector<128x128xf32>
      %abs3A = math.absf %reshape3A : vector<128x128xf32>
      %neg3A = arith.constant 0.000000e+00 : f32
      %neg3A_55 = vector.broadcast %neg3A : f32 to vector<128x128xf32>
      %neg3A_56 = arith.subf %neg3A_55, %abs3A : vector<128x128xf32>
      %exp3A = math.exp %neg3A_56 : vector<128x128xf32>
      %max3A_57 = arith.constant 0.000000e+00 : f32
      %max3A_58 = vector.broadcast %max3A_57 : f32 to vector<128x128xf32>
      %max3A_59 = arith.maximumf %reshape3A, %max3A_58 : vector<128x128xf32>
      %log1p3A = math.log1p %exp3A : vector<128x128xf32>
      %add3A_60 = arith.addf %max3A_59, %log1p3A : vector<128x128xf32>
      %mul3A_61 = arith.mulf %min3A_54, %add3A_60 : vector<128x128xf32>
      %mul3A_62 = arith.mulf %reshape3A, %max3A_49 : vector<128x128xf32>
      %sub3A = arith.subf %mul3A_61, %mul3A_62 : vector<128x128xf32>
      %add3A_63 = arith.addf %scan3A_37, %sub3A : vector<128x128xf32>
      %add3A_64 = arith.addf %scan3A_38, %min3A_54 : vector<128x128xf32>
      %scan3A_65 = arith.constant 1 : i32
      %scan3A_66 = arith.addi %scan3A_36, %scan3A_65 : i32
      %mul3A_67 = arith.constant 16384 : i32
      %mul3A_68 = arith.muli %scan3A_66, %mul3A_67 : i32
      %get3A_69 = arith.index_cast %mul3A_68 : i32 to index
      %get3A_70 = vector.load %arg1[%get3A_69] : memref<1048576xf32, #tpu.memory_space<vmem>>, vector<16384xf32>
      %reshape3A_71 = vector.shape_cast %get3A_70 : vector<16384xf32> to vector<128x128xf32>
      %mul3A_72 = arith.constant 16384 : i32
      %mul3A_73 = arith.muli %scan3A_66, %mul3A_72 : i32
      %get3A_74 = arith.index_cast %mul3A_73 : i32 to index
      %get3A_75 = vector.load %arg2[%get3A_74] : memref<1048576xi32, #tpu.memory_space<vmem>>, vector<16384xi32>
      %reshape3A_76 = vector.shape_cast %get3A_75 : vector<16384xi32> to vector<128x128xi32>
      %convert_element_type3A_77 = arith.sitofp %reshape3A_76 : vector<128x128xi32> to vector<128x128xf32>
      %max3A_78 = arith.constant 0.000000e+00 : f32
      %max3A_79 = vector.broadcast %max3A_78 : f32 to vector<128x128xf32>
      %max3A_80 = arith.maximumf %convert_element_type3A_77, %max3A_79 : vector<128x128xf32>
      %add3A_81 = arith.constant 1.000000e+00 : f32
      %add3A_82 = vector.broadcast %add3A_81 : f32 to vector<128x128xf32>
      %add3A_83 = arith.addf %convert_element_type3A_77, %add3A_82 : vector<128x128xf32>
      %min3A_84 = arith.constant 1.000000e+00 : f32
      %min3A_85 = vector.broadcast %min3A_84 : f32 to vector<128x128xf32>
      %min3A_86 = arith.minimumf %add3A_83, %min3A_85 : vector<128x128xf32>
      %abs3A_87 = math.absf %reshape3A_71 : vector<128x128xf32>
      %neg3A_88 = arith.constant 0.000000e+00 : f32
      %neg3A_89 = vector.broadcast %neg3A_88 : f32 to vector<128x128xf32>
      %neg3A_90 = arith.subf %neg3A_89, %abs3A_87 : vector<128x128xf32>
      %exp3A_91 = math.exp %neg3A_90 : vector<128x128xf32>
      %max3A_92 = arith.constant 0.000000e+00 : f32
      %max3A_93 = vector.broadcast %max3A_92 : f32 to vector<128x128xf32>
      %max3A_94 = arith.maximumf %reshape3A_71, %max3A_93 : vector<128x128xf32>
      %log1p3A_95 = math.log1p %exp3A_91 : vector<128x128xf32>
      %add3A_96 = arith.addf %max3A_94, %log1p3A_95 : vector<128x128xf32>
      %mul3A_97 = arith.mulf %min3A_86, %add3A_96 : vector<128x128xf32>
      %mul3A_98 = arith.mulf %reshape3A_71, %max3A_80 : vector<128x128xf32>
      %sub3A_99 = arith.subf %mul3A_97, %mul3A_98 : vector<128x128xf32>
      %add3A_100 = arith.addf %add3A_63, %sub3A_99 : vector<128x128xf32>
      %add3A_101 = arith.addf %add3A_64, %min3A_86 : vector<128x128xf32>
      scf.yield %add3A_100, %add3A_101 : vector<128x128xf32>, vector<128x128xf32>
    }
    %scan3A_9 = arith.constant 64 : i32
    %get3A = arith.constant 0 : index
    %get3A_10 = arith.constant 0 : index
    %get3A_11 = arith.constant 0 : index
    %get3A_12 = vector.load %arg4[%get3A, %get3A_10, %get3A_11] : memref<2x128x128xf32, #tpu.memory_space<vmem>>, vector<1x128x128xf32>
    %get3A_13 = vector.shape_cast %get3A_12 : vector<1x128x128xf32> to vector<128x128xf32>
    %add3A = arith.addf %get3A_13, %scan3A_8#0 : vector<128x128xf32>
    %swap3A = arith.constant 0 : index
    %swap3A_14 = arith.constant 0 : index
    %swap3A_15 = arith.constant 0 : index
    %swap3A_16 = vector.load %arg4[%swap3A, %swap3A_14, %swap3A_15] : memref<2x128x128xf32, #tpu.memory_space<vmem>>, vector<1x128x128xf32>
    %swap3A_17 = vector.shape_cast %swap3A_16 : vector<1x128x128xf32> to vector<128x128xf32>
    %swap3A_18 = vector.shape_cast %add3A : vector<128x128xf32> to vector<1x128x128xf32>
    tpu.vector_store %arg4[%swap3A, %swap3A_14, %swap3A_15], %swap3A_18 {strides = array<i32>} : memref<2x128x128xf32, #tpu.memory_space<vmem>>, vector<1x128x128xf32>,
    %get3A_19 = arith.constant 1 : index
    %get3A_20 = arith.constant 0 : index
    %get3A_21 = arith.constant 0 : index
    %get3A_22 = vector.load %arg4[%get3A_19, %get3A_20, %get3A_21] : memref<2x128x128xf32, #tpu.memory_space<vmem>>, vector<1x128x128xf32>
    %get3A_23 = vector.shape_cast %get3A_22 : vector<1x128x128xf32> to vector<128x128xf32>
    %add3A_24 = arith.addf %get3A_23, %scan3A_8#1 : vector<128x128xf32>
    %swap3A_25 = arith.constant 1 : index
    %swap3A_26 = arith.constant 0 : index
    %swap3A_27 = arith.constant 0 : index
    %swap3A_28 = vector.load %arg4[%swap3A_25, %swap3A_26, %swap3A_27] : memref<2x128x128xf32, #tpu.memory_space<vmem>>, vector<1x128x128xf32>
    %swap3A_29 = vector.shape_cast %swap3A_28 : vector<1x128x128xf32> to vector<128x128xf32>
    %swap3A_30 = vector.shape_cast %add3A_24 : vector<128x128xf32> to vector<1x128x128xf32>
    tpu.vector_store %arg4[%swap3A_25, %swap3A_26, %swap3A_27], %swap3A_30 {strides = array<i32>} : memref<2x128x128xf32, #tpu.memory_space<vmem>>, vector<1x128x128xf32>,
    %eq3A_31 = arith.constant 6 : i32
    %eq3A_32 = arith.cmpi eq, %arg0, %eq3A_31 : i32
    %convert_element_type3A_33 = arith.extui %eq3A_32 : i1 to i32
    %cond3A_34 = arith.constant 0 : i32
    %cond3A_35 = arith.cmpi ne, %convert_element_type3A_33, %cond3A_34 : i32
    scf.if %cond3A_35 {
      %get3A_36 = arith.constant 0 : index
      %get3A_37 = arith.constant 0 : index
      %get3A_38 = arith.constant 0 : index
      %get3A_39 = vector.load %arg4[%get3A_36, %get3A_37, %get3A_38] : memref<2x128x128xf32, #tpu.memory_space<vmem>>, vector<1x128x128xf32>
      %get3A_40 = vector.shape_cast %get3A_39 : vector<1x128x128xf32> to vector<128x128xf32>
      %reduce_sum3A = vector.shape_cast %get3A_40 : vector<128x128xf32> to vector<1x128x128xf32>
      %reduce_sum3A_41 = arith.constant dense<0.000000e+00> : vector<1xf32>
      %reduce_sum3A_42 = vector.multi_reduction <add>, %reduce_sum3A, %reduce_sum3A_41 [1, 2] : vector<1x128x128xf32> to vector<1xf32>
      %reduce_sum3A_43 = vector.shape_cast %reduce_sum3A_42 : vector<1xf32> to vector<1x1x1xf32>
      %reduce_sum3A_44 = vector.extract %reduce_sum3A_43[0, 0, 0] : f32 from vector<1x1x1xf32>
      %swap3A_45 = arith.constant 0 : index
      %swap3A_46 = memref.load %arg3[%swap3A_45] : memref<2xf32, #tpu.memory_space<smem>>
      memref.store %reduce_sum3A_44, %arg3[%swap3A_45] : memref<2xf32, #tpu.memory_space<smem>>
      %get3A_47 = arith.constant 1 : index
      %get3A_48 = arith.constant 0 : index
      %get3A_49 = arith.constant 0 : index
      %get3A_50 = vector.load %arg4[%get3A_47, %get3A_48, %get3A_49] : memref<2x128x128xf32, #tpu.memory_space<vmem>>, vector<1x128x128xf32>
      %get3A_51 = vector.shape_cast %get3A_50 : vector<1x128x128xf32> to vector<128x128xf32>
      %reduce_sum3A_52 = vector.shape_cast %get3A_51 : vector<128x128xf32> to vector<1x128x128xf32>
      %reduce_sum3A_53 = arith.constant dense<0.000000e+00> : vector<1xf32>
      %reduce_sum3A_54 = vector.multi_reduction <add>, %reduce_sum3A_52, %reduce_sum3A_53 [1, 2] : vector<1x128x128xf32> to vector<1xf32>
      %reduce_sum3A_55 = vector.shape_cast %reduce_sum3A_54 : vector<1xf32> to vector<1x1x1xf32>
      %reduce_sum3A_56 = vector.extract %reduce_sum3A_55[0, 0, 0] : f32 from vector<1x1x1xf32>
      %swap3A_57 = arith.constant 1 : index
      %swap3A_58 = memref.load %arg3[%swap3A_57] : memref<2xf32, #tpu.memory_space<smem>>
      memref.store %reduce_sum3A_56, %arg3[%swap3A_57] : memref<2xf32, #tpu.memory_space<smem>>
    } else {
    }
    return
  }
  func.func @transform_0(%arg0: i32) -> i32 {
    %c0_i32 = arith.constant 0 : i32
    return %arg0 : i32
  }
  func.func @transform_1(%arg0: i32) -> i32 {
    %c0_i32 = arith.constant 0 : i32
    return %arg0 : i32
  }
  func.func @transform_2(%arg0: i32) -> i32 {
    %c0_i32 = arith.constant 0 : i32
    %c0_i32_0 = arith.constant 0 : i32
    return %c0_i32 : i32
  }
}

</mosaic_0001>

<sc_bundles>
// kernel: kernel.4.cloned.1.call-start
scs
__scs_entry_jumppad:
0x0: {  	(pc) =	sbr.rel $0x88, $3  }
0x1: {  	(tag) =	ssettag $0x0;
	lr =	simm.s32 $0x1  }
0x2: {  	[smem:$0x3F9F] =	sst lr;
	_ =	strace $0xD0000000  }
0x3: {  	_ = 	snop  }
0x4: {  	_ = 	snop  }
0x5: {  	_ = 	snop  }
0x6: {  	_ = 	snop  }
0x7: {  	_ = 	snop  }
__scs_overlays_trampoline_lowered:
0x8: {  	[smem:$0x3FAE] =	sst s0  }
0x9: {  	[smem:$0x3FAF] =	sst s1  }
0xa: {  	[smem:$0x3FB0] =	sst s2  }
0xb: {  	[smem:$0x3FB1] =	sst s3  }
0xc: {  	[smem:$0x3FB2] =	sst s4  }
0xd: {  	[smem:$0x3FB3] =	sst s5  }
0xe: {  	[smem:$0x3FB4] =	sst s6  }
0xf: {  	[smem:$0x3FB5] =	sst s7  }
0x10: {  	[smem:$0x3FB6] =	sst s8  }
0x11: {  	[smem:$0x3FB7] =	sst s9;
	s0 =	simm.s32 @!p0 $0x0  }
0x12: {  	s1 =	sld [smem:$0x3F9D];
	s0 =	simm.s32 @p0 $0x1  }
0x13: {  	[smem:$0x3FB8] =	sst s0;
	s0 =	simm.s32 @!p1 $0x0  }
0x14: {  	s2 =	sld [smem:$0x3F9C];
	s0 =	simm.s32 @p1 $0x1  }
0x15: {  	[smem:$0x3FB9] =	sst s0;
	s0 =	simm.s32 @!p2 $0x0  }
0x16: {  	s3 =	sld [smem:$0x3FDB];
	s0 =	simm.s32 @p2 $0x1  }
0x17: {  	s4 =	simm.s32 $0x1BF5;
	[smem:$0x3FBB] =	sst s0  }
0x18: {  	s0 =	sld [smem:$0x3F9E];
	_ =	swait.ge [sflag:s4], $0x0  }
0x19: {  	s7 =	sld [smem:$0x3F9F]  }
0x1a: {  	s8 =	sadd.s32 $0xFFFFE003, lr  }
0x1b: {  	s9 =	sadd.s32 $0xFFFFFEF7, lr;
	s5 =	simm.s32 $0xFFFFFFFF;
	p2 =	slt.u32 s8, $0xFFFFF086  }
0x1c: {  	p1 =	slt.u32 s9, $0xF7A;
	s5 =	simm.s32 @!p2 $0x0  }
0x1d: {  	s5 =	simm.s32 @p1 $0x1;
	p0 =	seq.s32 s7, s2  }
0x1e: {  	s7 =	smul.u32 @!p0 $0xF7A, s2;
	p2 =	seq.s32 @!p0 s5, $0x0  }
0x1f: {  	s9 =	smul.u32 $0xF7A, s1;
	s8 =	simm.s32 @!p0 $0x1BF5;
	p2 =	por !p2, p0  }
0x20: {  	[sflag:s8] =	ssyncset.s32 @!p0 $0xFFFFF086;
	s6 =	sadd.s32 @!p0 s3, s7;
	s7 =	simm.s32 @!p0 $0x108  }
0x21: {  	s3 =	sadd.s32 s3, s9;
	s6 =	sadd.s32 @!p0 $0x88, s6;
	s7 =	simm.s32 @p2 $0x1082  }
0x22: {  	[simem:s7], [sflag:s8] =	dma.local @!p0 [hbm:s6], $0xF7A  }
0x23: {  	s9 =	sor.u32 $0xD0000000, s2;
	s6 =	simm.s32 $0x108;
	_ =	swait.ge @!p0 [sflag:s8], $0x0  }
0x24: {  	s3 =	sadd.s32 $0x88, s3;
	s6 =	simm.s32 @!p1 $0x1082;
	[sflag:s4] =	ssyncset.s32 $0xFFFFF086  }
0x25: {  	[simem:s6], [sflag:s4] =	dma.local [hbm:s3], $0xF7A  }
0x26: {  	[smem:$0x3F9F] =	sst s1;
	(tag) =	ssettag s2;
	_ =	strace s9  }
0x27: {  	s1 =	sld [smem:$0x3FAF]  }
0x28: {  	s2 =	sld [smem:$0x3FB0]  }
0x29: {  	s4 =	sld [smem:$0x3FB2]  }
0x2a: {  	p0 =	seq.s32 s5, $0x0;
	s5 =	sld [smem:$0x3FB3]  }
0x2b: {  	s6 =	sld [smem:$0x3FB4]  }
0x2c: {  	s7 =	sld [smem:$0x3FB5]  }
0x2d: {  	s3 =	simm.s32 $0x108;
	s8 =	sld [smem:$0x3FB6]  }
0x2e: {  	s3 =	simm.s32 @!p0 $0x1082;
	s9 =	sld [smem:$0x3FB7]  }
0x2f: {  	lr =	sadd.s32 s0, s3;
	s0 =	sld [smem:$0x3FAE]  }
0x30: {  	s3 =	sld [smem:$0x3FB1]  }
0x31: {  	[smem:$0x3FBA] =	sst s10  }
0x32: {  	s10 =	sld [smem:$0x3FB8];
	_ =	sdelay $0x3  }
0x33: {  	p0 =	seq.s32 s10, $0x1;
	s10 =	sld [smem:$0x3FBA];
	_ =	sdelay $0x3  }
0x34: {  	[smem:$0x3FBA] =	sst s10  }
0x35: {  	s10 =	sld [smem:$0x3FB9];
	_ =	sdelay $0x3  }
0x36: {  	p1 =	seq.s32 s10, $0x1;
	s10 =	sld [smem:$0x3FBA];
	_ =	sdelay $0x3  }
0x37: {  	[smem:$0x3FBA] =	sst s10  }
0x38: {  	s10 =	sld [smem:$0x3FBB]  }
0x39: {  	_ = 	snop;
	(pc) =	sbr.ind lr, $3  }
0x3a: {  	_ = 	snop  }
0x3b: {  	_ = 	snop  }
0x3c: {  	p2 =	seq.s32 s10, $0x1;
	s10 =	sld [smem:$0x3FBA]  }
0x3d: {  	_ =	shalt  }
0x3e: {  	_ =	shalt  }
0x3f: {  	_ =	shalt  }
0x40: {  	_ =	shalt  }
0x41: {  	_ =	shalt  }
0x42: {  	_ =	shalt  }
0x43: {  	_ =	shalt  }
0x44: {  	_ =	shalt  }
0x45: {  	_ =	shalt  }
0x46: {  	_ =	shalt  }
0x47: {  	_ =	shalt  }
0x48: {  	_ =	shalt  }
0x49: {  	_ =	shalt  }
0x4a: {  	_ =	shalt  }
0x4b: {  	_ =	shalt  }
0x4c: {  	_ =	shalt  }
0x4d: {  	_ =	shalt  }
0x4e: {  	_ =	shalt  }
0x4f: {  	_ =	shalt  }
0x50: {  	_ =	shalt  }
0x51: {  	_ =	shalt  }
0x52: {  	_ =	shalt  }
0x53: {  	_ =	shalt  }
0x54: {  	_ =	shalt  }
0x55: {  	_ =	shalt  }
0x56: {  	_ =	shalt  }
0x57: {  	_ =	shalt  }
0x58: {  	_ =	shalt  }
0x59: {  	_ =	shalt  }
0x5a: {  	_ =	shalt  }
0x5b: {  	_ =	shalt  }
0x5c: {  	_ =	shalt  }
0x5d: {  	_ =	shalt  }
0x5e: {  	_ =	shalt  }
0x5f: {  	_ =	shalt  }
0x60: {  	_ =	shalt  }
0x61: {  	_ =	shalt  }
0x62: {  	_ =	shalt  }
0x63: {  	_ =	shalt  }
0x64: {  	_ =	shalt  }
0x65: {  	_ =	shalt  }
0x66: {  	_ =	shalt  }
0x67: {  	_ =	shalt  }
0x68: {  	_ =	shalt  }
0x69: {  	_ =	shalt  }
0x6a: {  	_ =	shalt  }
0x6b: {  	_ =	shalt  }
0x6c: {  	_ =	shalt  }
0x6d: {  	_ =	shalt  }
0x6e: {  	_ =	shalt  }
0x6f: {  	_ =	shalt  }
0x70: {  	_ =	shalt  }
0x71: {  	_ =	shalt  }
0x72: {  	_ =	shalt  }
0x73: {  	_ =	shalt  }
0x74: {  	_ =	shalt  }
0x75: {  	_ =	shalt  }
0x76: {  	_ =	shalt  }
0x77: {  	_ =	shalt  }
0x78: {  	_ =	shalt  }
0x79: {  	_ =	shalt  }
0x7a: {  	_ =	shalt  }
0x7b: {  	_ =	shalt  }
0x7c: {  	_ =	shalt  }
0x7d: {  	_ =	shalt  }
0x7e: {  	_ =	shalt  }
0x7f: {  	_ =	shalt  }
0x80: {  	_ =	shalt  }
0x81: {  	_ =	shalt  }
0x82: {  	_ =	shalt  }
0x83: {  	_ =	shalt  }
0x84: {  	_ =	shalt  }
0x85: {  	_ =	shalt  }
0x86: {  	_ =	shalt  }
0x87: {  	_ =	shalt  }
.Lfunc_end0:
.L_simem_size_0:
called_computation_lowered:
.L_overlay_start_0:
0x88: {  	s2 =	sld [smem:$0x3FD9]  }
0x89: {  	s3 =	sld [smem:$0x3FFE];
	_ =	sdelay $0x1  }
0x8a: {  	s1 =	srdreg.scid  }
0x8b: {  	s0 =	sand.u32 $0x1, s1  }
0x8c: {  	s17 =	sshll.u32 s0, $0xA;
	s2 =	sadd.s32 s3, s2  }
0x8d: {  	s2 =	sadd.s32 s2, s17  }
0x8e: {  	[smem:$0x3FC6] =	sst s2  }
0x8f: {  	_ = 	snop  }
0x90: {  	s2 =	sld [smem:$0x3FC9]  }
0x91: {  	s18 =	sld [smem:$0x3FC8];
	(tm) =	ssettm $0x1  }
0x92: {  	s4 =	sld [smem:$0x3FFB];
	_ =	sdelay $0x3  }
0x93: {  	_ =	strace s4  }
0x94: {  	s4 =	sld [smem:$0x3FFC];
	_ =	sdelay $0x3  }
0x95: {  	_ =	strace s4  }
0x96: {  	s4 =	sld [smem:$0x3FFD];
	_ =	sdelay $0x3  }
0x97: {  	_ =	strace s4  }
0x98: {  	_ =	strace $0x8FFFFFFF  }
0x99: {  	s19 =	sld [smem:$0x3FDB];
	_ =	sdelay $0x1  }
0x9a: {  	s5 =	simm.s32 $_scs_section_size  }
0x9b: {  	s6 =	simm.s32 $_size__tile_overlayer_lowered;
	s7 =	simm.s32 $_tile_overlayer_lowered  }
0x9c: {  	s22 =	simm.s32 $0x1BFF;
	s21 =	sshll.u32 s7, $0x1;
	s4 =	sadd.s32 s5, s19  }
0x9d: {  	s8 =	simm.s32 $0x0;
	s20 =	sshll.u32 s6, $0x1;
	s6 =	sadd.s32 s21, s4  }
0x9e: {  	[timem:s8], [sflag:s22] =	dma.local [hbm:s6], s20  }
0x9f: {  	_ =	swait.ge [sflag:s22], s20  }
0xa0: {  	s5 =	ssub.s32 $0x0, s20;
	[sflag:s22] =	ssyncset.done $0x0  }
0xa1: {  	[sflag:s22] =	ssyncadd.s32 s5;
	_ =	sdelay $0x1  }
0xa2: {  	s23 =	simm.s32 $0x1B8B  }
0xa3: {  	_ =	swait.ge [sflag:s23], $0x1  }
0xa4: {  	[sflag:s23] =	ssyncset.done $0x0  }
0xa5: {  	s25 =	simm.s32 $0x1B8E;
	s24 =	sld [smem:$0x3FFE];
	[sflag:s23] =	ssyncadd.s32 $0xFFFFFFFF  }
0xa6: {  	s26 =	simm.s32 $execute0_lowered;
	[smem:$0x3FD2] =	sst s25  }
0xa7: {  	s6 =	sshll.u32 s26, $0x1;
	_ =	strace $0x80000046;
	[dreg:$0x1] =	wrdreg $0xFFFFFFFF  }
0xa8: {  	s28 =	simm.s32 $_size_execute0_lowered;
	s4 =	sadd.s32 s4, s6;
	[dreg:$0x0] =	wrdreg $0x0  }
0xa9: {  	s6 =	sshll.u32 s28, $0x1;
	[dreg:$0x2] =	wrdreg s4  }
0xaa: {  	[dreg:$0x3] =	wrdreg s6  }
0xab: {  	[dreg:$0x4] =	wrdreg $0xC0  }
0xac: {  	_ =	task [dreg:s8], $0x5FFFF  }
0xad: {  	[dreg:$0x1] =	wrdreg $0xFFFFFFFF  }
0xae: {  	[dreg:$0x0] =	wrdreg $0x60  }
0xaf: {  	[dreg:$0x2] =	wrdreg s2  }
0xb0: {  	[dreg:$0x3] =	wrdreg s18  }
0xb1: {  	[dreg:$0x4] =	wrdreg s24  }
0xb2: {  	[dreg:$0x5] =	wrdreg $0x9  }
0xb3: {  	_ =	task.clear_ibuf [dreg:s8], $0x6FFFF;
	_ =	strace $0x90000046  }
0xb4: {  	s29 =	simm.s32 $0x9;
	_ =	strace $0x80000048  }
0xb5: {  	_ =	swait.ge [sflag:s29], $0x1  }
0xb6: {  	[sflag:s29] =	ssyncadd.s32 $0xFFFFFFFF  }
0xb7: {  	_ =	strace $0x90000048  }
0xb8: {  	_ =	sfence  }
0xb9: {  	s30 =	sld [smem:$0x0];
	_ =	sdelay $0x2  }
0xba: {  	s31 =	sshll.u32 s1, $0xD;
	s1 =	sshrl.u32 s1, $0x2  }
0xbb: {  	s3 =	sand.u32 $0x4000, s31;
	s1 =	sadd.s32 s1, s30  }
0xbc: {  	s0 =	sor.u32 s3, s0;
	s1 =	sshll.u32 s1, $0x11  }
0xbd: {  	s0 =	sor.u32 s1, s0  }
0xbe: {  	s0 =	sadd.s32 $0x8F2B, s0  }
0xbf: {  	[sflag:s0] =	ssyncadd.remote.s32 $0x1  }
0xc0: {  	_ =	sfence.sel $0xFFFF  }
0xc1: {  	[dreg:$0x0] =	wrdreg $0xFFFFFFFF;
	(pc) =	sbr.abs _section_cstart, $3  }
0xc2: {  	[dreg:$0x1] =	wrdreg $0xFFFFFFFF  }
0xc3: {  	_ =	task.clear_ibuf [dreg:s8], $0x2FFFF;
	_ =	strace $0x9FFFFFFF  }
0xc4: {  	(tm) =	ssettm $0x7FFFFFFF  }
0xc5: {  	_ =	shalt  }
tec
execute0_lowered:
.L_overlay_start_1:
0x0: {  	(tag) =	ssettag $0x1  }
0x1: {  	s3 =	rddreg [dreg:$0x0]  }
0x2: {  	s5 =	rddreg [dreg:$0x1]  }
0x3: {  	s4 =	rddreg [dreg:$0x2]  }
0x4: {  	s0 =	rddreg [dreg:$0x3];
	s6 =	srdreg.scid  }
0x5: {  	s1 =	stileid.u32;
	s2 =	simm.s32 $0x0;
	s10 =	simm.s32 $0x10000  }
0x6: {  	s11 =	simm.s32 $0x3;
	s12 =	simm.s32 $0x10080;
	s13 =	simm.s32 $0x0  }
0x7: {  	s6 =	sand.u32 $0x1, s6;
	s7 =	sshll.u32 s1, $0x1;
	[smem:$0x7FF] =	sst s2  }
0x8: {  	s7 =	sor.u32 s6, s7;
	_ =	strace $0x80000047;
	s6 =	ssub.s32 $0x2, s6  }
0x9: {  	s8 =	sshll.u32 s7, $0xB;
	s9 =	sshrl.u32 s6, $0x1;
	s7 =	sshll.u32 s7, $0x4  }
0xa: {  	s8 =	sor.u32 $0xF0000, s8;
	s9 =	ssub.s32 s6, s9;
	s4 =	sadd.s32 s4, s7  }
0xb: {  	s3 =	sadd.s32 s3, s8;
	s5 =	sadd.s32 s5, s8;
	s6 =	sadd.s32 $0x200, s4  }
0xc: {  	s7 =	smax.u32 s9, $0x1;
	s8 =	simm.s32 $0x1;
	s9 =	simm.s32 $0x2  }
.LBB2_1:
0xd: {  	s14 =	simm.s32 $0x10  }
0xe: {  	s17 =	sadd.s32 $0x0, s3;
	s15 =	simm.s32 $0x100;
	s16 =	simm.s32 $0x0  }
.LBB2_2:
0xf: {  	[tilespmem:s16], [sflag:$0x1] =	stream.linear.gather [hbm4b:s17+s2], $0x80, $0x38;
	[tilespmem:$0x10100] =	vst v63  }
0x10: {  	s17 =	smov.u32 s14;
	s16 =	smov.u32 s15;
	p0 =	sne.s32 s14, $0x7F0  }
.Ltmp0:
0x11: {  	s14 =	sadd.s32 $0x10, s14;
	(pc) =	sbr.rel @p0 .LBB2_2-.Ltmp0, $2  }
0x12: {  	_ =	sdelay $0x2  }
0x13: {  	s15 =	sadd.s32 $0x100, s15;
	s17 =	sadd.s32 s17, s3  }
0x14: {  	[tilespmem:s16], [sflag:$0x1] =	stream.linear.gather [hbm4b:s17+s2], $0x80, $0x38;
	[tilespmem:$0x10100] =	vst v63  }
0x15: {  	s14 =	simm.s32 $0x8000  }
0x16: {  	s15 =	simm.s32 $0x10;
	s17 =	sadd.s32 $0x0, s5;
	s16 =	simm.s32 $0x8100  }
.LBB2_4:
0x17: {  	[tilespmem:s14], [sflag:$0x2] =	stream.linear.gather [hbm4b:s17+s2], $0x80, $0x38;
	[tilespmem:$0x10100] =	vst v63  }
0x18: {  	s17 =	smov.u32 s15;
	s14 =	smov.u32 s16;
	p0 =	sne.s32 s15, $0x7F0  }
.Ltmp1:
0x19: {  	s15 =	sadd.s32 $0x10, s15;
	(pc) =	sbr.rel @p0 .LBB2_4-.Ltmp1, $2  }
0x1a: {  	_ =	sdelay $0x2  }
0x1b: {  	s16 =	sadd.s32 $0x100, s16;
	s17 =	sadd.s32 s17, s5  }
0x1c: {  	[tilespmem:s14], [sflag:$0x2] =	stream.linear.gather [hbm4b:s17+s2], $0x80, $0x38;
	[tilespmem:$0x10100] =	vst v63  }
0x1d: {  	_ =	swait.ge [sflag:s8], $0x4000  }
0x1e: {  	[sflag:s8] =	ssyncset.done $0x0  }
0x1f: {  	[sflag:s8] =	ssyncadd.s32 $0xFFFFC000  }
0x20: {  	_ =	swait.ge [sflag:s9], $0x4000  }
0x21: {  	[sflag:s9] =	ssyncset.done $0x0  }
0x22: {  	s15 =	simm.s32 $0x8100;
	[sflag:s9] =	ssyncadd.s32 $0xFFFFC000  }
0x23: {  	v0 =	vld [tilespmem:s15+$0x60]  }
0x24: {  	v1 =	vld [tilespmem:s15+$0x70]  }
0x25: {  	v2 =	vld [tilespmem:s15+$0x40]  }
0x26: {  	v3 =	vld [tilespmem:s15+$0x50]  }
0x27: {  	v4 =	vld [tilespmem:s15+$0x20]  }
0x28: {  	v5 =	vld [tilespmem:s15+$0x30]  }
0x29: {  	v6 =	vld [tilespmem:s15+$0x0]  }
0x2a: {  	v7 =	vld [tilespmem:s15+$0x10]  }
0x2b: {  	s14 =	simm.s32 $0x100;
	v8 =	vld [tilespmem:s15+$0xFFFFFF60]  }
0x2c: {  	v9 =	vld [tilespmem:s14+$0x60]  }
0x2d: {  	v10 =	vld [tilespmem:s14+$0x70]  }
0x2e: {  	v11 =	vld [tilespmem:s14+$0x40]  }
0x2f: {  	v12 =	vld [tilespmem:s14+$0x50]  }
0x30: {  	v13 =	vld [tilespmem:s15+$0xFFFFFF70]  }
0x31: {  	v14 =	vld [tilespmem:s15+$0xFFFFFF40]  }
0x32: {  	v15 =	vld [tilespmem:s14+$0x20]  }
0x33: {  	v19 =	vld [tilespmem:s14+$0x30]  }
0x34: {  	v36 =	vimm.f32 $0.0e+00;
	v25 =	vld [tilespmem:s14+$0x0]  }
0x35: {  	v24 =	vld [tilespmem:s15+$0xFFFFFF50];
	v33 =	vmax.f32 v9, $0.0e+00;
	v28 =	vcvt.s32.f32 v0;
	v22 =	vcvt.s32.f32 v1  }
0x36: {  	v26 =	vld [tilespmem:s14+$0x10];
	v16 =	vmax.f32 v10, $0.0e+00;
	v39 =	vcvt.s32.f32 v2;
	v35 =	vcvt.s32.f32 v3  }
0x37: {  	v30 =	vld [tilespmem:s14+$0xFFFFFF60];
	v18 =	vmax.f32 v11, $0.0e+00;
	v38 =	vcvt.s32.f32 v4;
	v37 =	vcvt.s32.f32 v5  }
0x38: {  	v44 =	vld [tilespmem:s14+$0xFFFFFF70];
	v1 =	vmax.f32 v15, $0.0e+00;
	v21 =	vcvt.s32.f32 v6;
	v17 =	vcvt.s32.f32 v7  }
0x39: {  	v20 =	vld [tilespmem:s14+$0xFFFFFF40];
	v2 =	vmax.f32 v25, $0.0e+00;
	v27 =	vcvt.s32.f32 v8;
	v29 =	vcvt.s32.f32 v13  }
0x3a: {  	v31 =	vcvt.s32.f32 v14;
	v32 =	vcvt.s32.f32 v24;
	v53 =	vand.u32 $0x7FFFFFFF, v9  }
0x3b: {  	v54 =	vand.u32 $0x7FFFFFFF, v11;
	v55 =	vand.u32 $0x7FFFFFFF, v12;
	v8 =	vand.u32 $0x7FFFFFFF, v10  }
0x3c: {  	v0 =	vld [tilespmem:s15+$0xFFFFFF20];
	v13 =	vand.u32 $0x7FFFFFFF, v25;
	v14 =	vand.u32 $0x7FFFFFFF, v15;
	v41 =	vand.u32 $0x7FFFFFFF, v19  }
0x3d: {  	v40 =	vld [tilespmem:s14+$0xFFFFFF20];
	v42 =	vand.u32 $0x7FFFFFFF, v30;
	v43 =	vand.u32 $0x7FFFFFFF, v26;
	v46 =	vand.u32 $0x7FFFFFFF, v44  }
0x3e: {  	v48 =	vand.u32 $0x7FFFFFFF, v20;
	[tilespmem:$0x1FFA0] =	vst v16;
	v16 =	vmax.f32 v12, $0.0e+00;
	v45 =	vsub.f32 $0.0e+00, v53  }
0x3f: {  	[tilespmem:$0x1FFB0] =	vst v1;
	v1 =	vmax.f32 v19, $0.0e+00;
	v47 =	vsub.f32 $0.0e+00, v54;
	v8 =	vsub.f32 $0.0e+00, v8  }
0x40: {  	v14 =	vsub.f32 $0.0e+00, v14;
	v49 =	vsub.f32 $0.0e+00, v55;
	v56 =	vmax.f32 v28, $0.0e+00  }
0x41: {  	v51 =	vsub.f32 $0.0e+00, v13;
	v23 =	vcvt.s32.f32 v0;
	v0 =	vmul.f32 v56, v9  }
0x42: {  	v52 =	vsub.f32 $0.0e+00, v41;
	v53 =	vand.u32 $0x7FFFFFFF, v40;
	v13 =	vmax.f32 v39, $0.0e+00  }
0x43: {  	v54 =	vsub.f32 $0.0e+00, v42;
	v55 =	vsub.f32 $0.0e+00, v43;
	[tilespmem:$0x1FF30] =	vst v0;
	v0 =	vmul.f32 v13, v11  }
0x44: {  	[tilespmem:$0x1FF00] =	vst v1;
	v1 =	vmax.f32 v26, $0.0e+00;
	v57 =	vmax.f32 v22, $0.0e+00;
	v58 =	vmax.f32 v38, $0.0e+00  }
0x45: {  	v62 =	vsub.f32 $0.0e+00, v53;
	v7 =	vmax.f32 v29, $0.0e+00;
	[tilespmem:$0x1FF40] =	vst v0;
	v0 =	vmul.f32 v57, v10  }
0x46: {  	v39 =	vadd.f32 $1.000000000e+00, v39;
	[tilespmem:$0x1FF10] =	vst v1;
	v59 =	vmul.f32 $1.442695020e+00, v47;
	v13 =	vmul.f32 $1.442695020e+00, v45  }
0x47: {  	v1 =	vmax.f32 v30, $0.0e+00;
	v14 =	vmul.f32 $1.442695020e+00, v14;
	[tilespmem:$0x1FF50] =	vst v0;
	v0 =	vmul.f32 v58, v15  }
0x48: {  	v24 =	vld [tilespmem:s14+$0xFFFFFF50];
	v60 =	vmul.f32 $1.442695020e+00, v51;
	v10 =	vmax.f32 v35, $0.0e+00;
	(erf) = vpow2.f32 v13  }
0x49: {  	v41 =	vld [tilespmem:s14+$0xFFFFFF00];
	[tilespmem:$0x1FF60] =	vst v0;
	v0 =	vmul.f32 v10, v12;
	v10 =	vmul.f32 $1.442695020e+00, v8;
	v12 =	vmax.f32 v37, $0.0e+00  }
0x4a: {  	v47 =	vmul.f32 $1.442695020e+00, v62;
	v15 =	vmax.f32 v21, $0.0e+00;
	v12 =	vmul.f32 v12, v19  }
0x4b: {  	v13 =	vmax.f32 v27, $0.0e+00;
	[tilespmem:$0x1FF70] =	vst v0;
	v0 =	vmul.f32 v15, v25;
	(erf) = vpow2.f32 v10  }
0x4c: {  	v15 =	vmax.f32 v17, $0.0e+00;
	v25 =	vmul.f32 $1.442695020e+00, v49;
	(erf) = vpow2.f32 v59  }
0x4d: {  	v42 =	vld [tilespmem:s14+$0xFFFFFF10];
	v50 =	vand.u32 $0x7FFFFFFF, v24;
	[tilespmem:$0x1FF80] =	vst v0;
	v0 =	vmul.f32 v13, v30;
	v13 =	vmul.f32 v15, v26  }
0x4e: {  	v43 =	vld [tilespmem:s14+$0xFFFFFF30];
	v61 =	vand.u32 $0x7FFFFFFF, v41;
	v30 =	vmul.f32 $1.442695020e+00, v52;
	(erf) = vpow2.f32 v25  }
0x4f: {  	v26 =	vsub.f32 $0.0e+00, v46;
	v25 =	vmul.f32 $1.442695020e+00, v55;
	(erf) = vpow2.f32 v14  }
0x50: {  	v15 =	vsub.f32 $0.0e+00, v48;
	v14 =	vmul.f32 $1.442695020e+00, v54;
	(erf) = vpow2.f32 v30  }
0x51: {  	v63 =	vsub.f32 $0.0e+00, v50;
	v26 =	vmul.f32 $1.442695020e+00, v26;
	(erf) = vpow2.f32 v60  }
0x52: {  	v4 =	vand.u32 $0x7FFFFFFF, v42;
	v45 =	vpop (erf);
	v15 =	vmul.f32 $1.442695020e+00, v15;
	(erf) = vpow2.f32 v25  }
0x53: {  	v19 =	vand.u32 $0x7FFFFFFF, v43;
	v25 =	vmul.f32 $1.720779950e-02, v45;
	(erf) = vpow2.f32 v14  }
0x54: {  	v19 =	vsub.f32 $0.0e+00, v19;
	v48 =	vmul.f32 $1.442695020e+00, v63;
	(erf) = vpow2.f32 v26;
	v5 =	vpop (erf)  }
0x55: {  	v25 =	vsub.f32 $8.172564210e-02, v25;
	(erf) = vpow2.f32 v15;
	v6 =	vmul.f32 $1.720779950e-02, v5  }
0x56: {  	v19 =	vmul.f32 $1.442695020e+00, v19;
	v46 =	vsub.f32 $0.0e+00, v4;
	(erf) = vpow2.f32 v48  }
0x57: {  	v50 =	vpop (erf);
	v25 =	vmul.f32 v25, v45;
	(erf) = vpow2.f32 v47;
	v26 =	vsub.f32 $8.172564210e-02, v6  }
0x58: {  	v30 =	vsub.f32 $0.0e+00, v61;
	v14 =	vmul.f32 $1.720779950e-02, v50;
	v47 =	vpop (erf);
	(erf) = vpow2.f32 v19  }
0x59: {  	v25 =	vadd.f32 $-1.887808290e-01, v25;
	v51 =	vpop (erf);
	v34 =	vmul.f32 $1.720779950e-02, v47;
	v15 =	vmul.f32 v26, v5  }
0x5a: {  	v14 =	vsub.f32 $8.172564210e-02, v14;
	v52 =	vpop (erf);
	v26 =	vmul.f32 $1.442695020e+00, v30;
	v30 =	vmul.f32 $1.442695020e+00, v46  }
0x5b: {  	v9 =	vmax.f32 v44, $0.0e+00;
	v25 =	vmul.f32 v25, v45;
	v53 =	vpop (erf);
	v57 =	vmul.f32 $1.720779950e-02, v52  }
0x5c: {  	v35 =	vadd.f32 $1.000000000e+00, v35;
	v14 =	vmul.f32 v14, v50;
	v4 =	vmul.f32 $1.720779950e-02, v53  }
0x5d: {  	v54 =	vpop (erf);
	v15 =	vadd.f32 $-1.887808290e-01, v15;
	(erf) = vpow2.f32 v26;
	v25 =	vadd.f32 $3.145891730e-01, v25  }
0x5e: {  	v26 =	vmul.f32 $1.720779950e-02, v51;
	v55 =	vpop (erf);
	v59 =	vmul.f32 $1.720779950e-02, v54;
	v14 =	vadd.f32 $-1.887808290e-01, v14  }
0x5f: {  	(erf) = vpow2.f32 v30;
	v58 =	vmul.f32 $1.720779950e-02, v55;
	v48 =	vsub.f32 $8.172564210e-02, v4  }
0x60: {  	v19 =	vmul.f32 v15, v5;
	v15 =	vmul.f32 v7, v44;
	v44 =	vsub.f32 $8.172564210e-02, v34  }
0x61: {  	v25 =	vmul.f32 v25, v45;
	v26 =	vsub.f32 $8.172564210e-02, v26;
	v6 =	vsub.f32 $8.172564210e-02, v59  }
0x62: {  	v14 =	vmul.f32 v14, v50;
	v7 =	vsub.f32 $8.172564210e-02, v58;
	v48 =	vmul.f32 v48, v53  }
0x63: {  	v19 =	vadd.f32 $3.145891730e-01, v19;
	v25 =	vadd.f32 $-4.969774190e-01, v25;
	v44 =	vmul.f32 v44, v47  }
0x64: {  	[tilespmem:$0x1FF90] =	vst v0;
	v0 =	vmul.f32 v26, v51;
	v30 =	vadd.f32 $3.145891730e-01, v14;
	v48 =	vadd.f32 $-1.887808290e-01, v48  }
0x65: {  	[tilespmem:$0x1FFC0] =	vst v16;
	v63 =	vmul.f32 v19, v5;
	v25 =	vmul.f32 v25, v45;
	v16 =	vadd.f32 $-1.887808290e-01, v44  }
0x66: {  	v0 =	vadd.f32 $-1.887808290e-01, v0;
	v56 =	vmul.f32 v30, v50;
	v48 =	vmul.f32 v48, v53  }
0x67: {  	v19 =	vpop (erf);
	v46 =	vadd.f32 $-4.969774190e-01, v63;
	v61 =	vadd.f32 $9.997923370e-01, v25;
	v16 =	vmul.f32 v16, v47  }
0x68: {  	v0 =	vmul.f32 v0, v51;
	v30 =	vpop (erf);
	v56 =	vadd.f32 $-4.969774190e-01, v56;
	v62 =	vmul.f32 $1.720779950e-02, v19  }
0x69: {  	v48 =	vadd.f32 $3.145891730e-01, v48;
	v60 =	vmul.f32 $1.720779950e-02, v30;
	v46 =	vmul.f32 v46, v5  }
0x6a: {  	v16 =	vadd.f32 $3.145891730e-01, v16;
	v0 =	vadd.f32 $3.145891730e-01, v0;
	v56 =	vmul.f32 v56, v50  }
0x6b: {  	v25 =	vpop (erf);
	v48 =	vmul.f32 v48, v53;
	v63 =	vadd.f32 $9.997923370e-01, v46;
	v46 =	vmul.f32 v61, v45  }
0x6c: {  	v62 =	vsub.f32 $8.172564210e-02, v62;
	v61 =	vmul.f32 $1.720779950e-02, v25;
	v16 =	vmul.f32 v16, v47  }
0x6d: {  	v0 =	vmul.f32 v0, v51;
	v56 =	vadd.f32 $9.997923370e-01, v56;
	v34 =	vadd.f32 $-4.969774190e-01, v48  }
0x6e: {  	[tilespmem:$0x1FF20] =	vst v1;
	v58 =	vmul.f32 v62, v19;
	v1 =	vmul.f32 v63, v5;
	v5 =	vsub.f32 $8.172564210e-02, v57  }
0x6f: {  	v26 =	vpop (erf);
	v57 =	vmul.f32 v7, v55;
	v16 =	vadd.f32 $-4.969774190e-01, v16;
	v45 =	vmul.f32 v56, v50  }
0x70: {  	v0 =	vadd.f32 $-4.969774190e-01, v0;
	v56 =	vmul.f32 $1.720779950e-02, v26;
	v50 =	vmul.f32 v6, v54  }
0x71: {  	v48 =	vld [tilespmem:s15+$0xFFFFFF10];
	v44 =	vsub.f32 $8.172564210e-02, v61;
	v49 =	vmul.f32 v5, v52;
	v16 =	vmul.f32 v16, v47  }
0x72: {  	v34 =	vmul.f32 v34, v53;
	v58 =	vadd.f32 $-1.887808290e-01, v58;
	v50 =	vadd.f32 $-1.887808290e-01, v50  }
0x73: {  	v0 =	vmul.f32 v0, v51;
	v49 =	vadd.f32 $-1.887808290e-01, v49;
	v16 =	vadd.f32 $9.997923370e-01, v16  }
0x74: {  	v57 =	vadd.f32 $-1.887808290e-01, v57;
	v56 =	vsub.f32 $8.172564210e-02, v56;
	v50 =	vmul.f32 v50, v54  }
0x75: {  	v58 =	vmul.f32 v58, v19;
	v0 =	vadd.f32 $9.997923370e-01, v0;
	v49 =	vmul.f32 v49, v52  }
0x76: {  	v57 =	vmul.f32 v57, v55;
	v61 =	vcvt.s32.f32 v48;
	v50 =	vadd.f32 $3.145891730e-01, v50  }
0x77: {  	v3 =	vmul.f32 v16, v47;
	v4 =	vmul.f32 v0, v51;
	v49 =	vadd.f32 $3.145891730e-01, v49;
	v16 =	vpop (erf)  }
0x78: {  	v58 =	vadd.f32 $3.145891730e-01, v58;
	v50 =	vmul.f32 v50, v54;
	v0 =	vmul.f32 $1.720779950e-02, v16  }
0x79: {  	v56 =	vmul.f32 v56, v26;
	v57 =	vadd.f32 $3.145891730e-01, v57;
	v49 =	vmul.f32 v49, v52  }
0x7a: {  	v58 =	vmul.f32 v58, v19;
	v47 =	vadd.f32 $-4.969774190e-01, v50;
	v0 =	vsub.f32 $8.172564210e-02, v0  }
0x7b: {  	v56 =	vadd.f32 $-1.887808290e-01, v56;
	v57 =	vmul.f32 v57, v55;
	v49 =	vadd.f32 $-4.969774190e-01, v49  }
0x7c: {  	v58 =	vadd.f32 $-4.969774190e-01, v58;
	v47 =	vmul.f32 v47, v54;
	v0 =	vmul.f32 v0, v16  }
0x7d: {  	v7 =	vadd.f32 $-4.969774190e-01, v57;
	v57 =	vadd.f32 $9.997923370e-01, v34;
	v63 =	vmul.f32 v49, v52  }
0x7e: {  	v56 =	vmul.f32 v56, v26;
	v47 =	vadd.f32 $9.997923370e-01, v47;
	v0 =	vadd.f32 $-1.887808290e-01, v0  }
0x7f: {  	v58 =	vmul.f32 v58, v19;
	v50 =	vadd.f32 $9.997923370e-01, v63;
	v63 =	vsub.f32 $8.172564210e-02, v60  }
0x80: {  	v48 =	vadd.f32 $1.000000000e+00, v29;
	v51 =	vmul.f32 v7, v55;
	v7 =	vmul.f32 v57, v53  }
0x81: {  	v29 =	vmax.f32 v42, $0.0e+00;
	v0 =	vmul.f32 v0, v16;
	v59 =	vmul.f32 v63, v30  }
0x82: {  	v56 =	vadd.f32 $3.145891730e-01, v56;
	v6 =	vmul.f32 v47, v54;
	v5 =	vmul.f32 v50, v52;
	v52 =	vpop (erf)  }
0x83: {  	v57 =	vmul.f32 $1.720779950e-02, v52;
	v47 =	vpop (erf);
	v0 =	vadd.f32 $3.145891730e-01, v0;
	v59 =	vadd.f32 $-1.887808290e-01, v59  }
0x84: {  	v58 =	vadd.f32 $9.997923370e-01, v58;
	v51 =	vadd.f32 $9.997923370e-01, v51;
	v34 =	vmul.f32 $1.720779950e-02, v47  }
0x85: {  	v57 =	vsub.f32 $8.172564210e-02, v57;
	v0 =	vmul.f32 v0, v16;
	v59 =	vmul.f32 v59, v30  }
0x86: {  	v8 =	vmul.f32 v51, v55;
	v60 =	vmul.f32 v44, v25;
	v51 =	vsub.f32 $8.172564210e-02, v34  }
0x87: {  	v57 =	vmul.f32 v57, v52;
	v0 =	vadd.f32 $-4.969774190e-01, v0;
	v59 =	vadd.f32 $3.145891730e-01, v59  }
0x88: {  	v56 =	vmul.f32 v56, v26;
	v60 =	vadd.f32 $-1.887808290e-01, v60;
	v51 =	vmul.f32 v51, v47  }
0x89: {  	v57 =	vadd.f32 $-1.887808290e-01, v57;
	v0 =	vmul.f32 v0, v16;
	v59 =	vmul.f32 v59, v30  }
0x8a: {  	v58 =	vmul.f32 v58, v19;
	v60 =	vmul.f32 v60, v25;
	v51 =	vadd.f32 $-1.887808290e-01, v51  }
0x8b: {  	v57 =	vmul.f32 v57, v52;
	v0 =	vadd.f32 $9.997923370e-01, v0;
	v59 =	vadd.f32 $-4.969774190e-01, v59  }
0x8c: {  	v19 =	vmax.f32 v31, $0.0e+00;
	v60 =	vadd.f32 $3.145891730e-01, v60;
	v51 =	vmul.f32 v51, v47  }
0x8d: {  	v57 =	vadd.f32 $3.145891730e-01, v57;
	v55 =	vmul.f32 v0, v16;
	v16 =	vld [tilespmem:s15+$0xFFFFFF00];
	v59 =	vmul.f32 v59, v30  }
0x8e: {  	v56 =	vadd.f32 $-4.969774190e-01, v56;
	v60 =	vmul.f32 v60, v25;
	v51 =	vadd.f32 $3.145891730e-01, v51  }
0x8f: {  	v19 =	vmul.f32 v19, v20;
	v57 =	vmul.f32 v57, v52;
	v59 =	vadd.f32 $9.997923370e-01, v59  }
0x90: {  	v58 =	vadd.f32 $3.511021300e-06, v58;
	v63 =	vadd.f32 $-4.969774190e-01, v60;
	v51 =	vmul.f32 v51, v47  }
0x91: {  	v50 =	vadd.f32 $3.511021300e-06, v46;
	v57 =	vadd.f32 $-4.969774190e-01, v57;
	v54 =	vmul.f32 v59, v30  }
0x92: {  	v30 =	vld [tilespmem:s15+$0xFFFFFF30];
	v59 =	vmul.f32 v63, v25;
	v51 =	vadd.f32 $-4.969774190e-01, v51;
	v16 =	vcvt.s32.f32 v16  }
0x93: {  	v0 =	vadd.f32 $1.000000000e+00, v37;
	v55 =	vadd.f32 $3.511021300e-06, v55;
	v57 =	vmul.f32 v57, v52  }
0x94: {  	v59 =	vadd.f32 $9.997923370e-01, v59;
	v51 =	vmul.f32 v51, v47;
	v46 =	vadd.f32 $1.000000000e+00, v16  }
0x95: {  	v56 =	vmul.f32 v56, v26;
	v34 =	vadd.f32 $9.997923370e-01, v57;
	v57 =	vadd.f32 $1.000000000e+00, v22  }
0x96: {  	v22 =	vmax.f32 v43, $0.0e+00;
	v62 =	vmul.f32 v59, v25;
	v51 =	vadd.f32 $9.997923370e-01, v51  }
0x97: {  	v59 =	vadd.f32 $1.000000000e+00, v38;
	v60 =	vcvt.s32.f32 v30;
	v30 =	vadd.f32 $9.997923370e-01, v56  }
0x98: {  	v53 =	vmul.f32 v34, v52;
	v56 =	vadd.f32 $1.000000000e+00, v28;
	v52 =	vadd.f32 v50, v33  }
0x99: {  	v63 =	vmul.f32 v51, v47;
	v51 =	vmax.f32 v16, $0.0e+00;
	v16 =	vadd.f32 $3.511021300e-06, v1;
	v1 =	vld [tilespmem:$0x1FFA0]  }
0x9a: {  	v25 =	vmax.f32 v32, $0.0e+00;
	v33 =	vadd.f32 $1.000000000e+00, v17;
	v34 =	vadd.f32 $1.000000000e+00, v27  }
0x9b: {  	v27 =	vmax.f32 v41, $0.0e+00;
	v50 =	vadd.f32 $1.000000000e+00, v31;
	v44 =	vmul.f32 v30, v26  }
0x9c: {  	v26 =	vmax.f32 v23, $0.0e+00;
	v30 =	vmul.f32 v25, v24;
	v25 =	vmax.f32 v24, $0.0e+00  }
0x9d: {  	v49 =	vmax.f32 v60, $0.0e+00;
	v37 =	vmul.f32 v51, v41;
	v41 =	vmin.f32 v0, $1.000000000e+00  }
0x9e: {  	v0 =	vmin.f32 v48, $1.000000000e+00;
	v48 =	vadd.f32 $3.511021300e-06, v63;
	v63 =	vadd.f32 v16, v1;
	v1 =	vld [tilespmem:$0x1FFB0]  }
0x9f: {  	v28 =	vmul.f32 v49, v43;
	v43 =	vadd.f32 $1.000000000e+00, v21;
	v21 =	vadd.f32 $3.511021300e-06, v45  }
0xa0: {  	v24 =	vmax.f32 v40, $0.0e+00;
	v26 =	vmul.f32 v26, v40;
	v40 =	vadd.f32 $1.000000000e+00, v32  }
0xa1: {  	v51 =	vadd.f32 v21, v18;
	v21 =	vmax.f32 v61, $0.0e+00;
	v18 =	vadd.f32 $3.511021300e-06, v4  }
0xa2: {  	v17 =	vadd.f32 $3.511021300e-06, v3;
	v38 =	vmul.f32 v21, v42;
	v42 =	vmin.f32 v43, $1.000000000e+00  }
0xa3: {  	v43 =	vmin.f32 v33, $1.000000000e+00;
	v33 =	vmin.f32 v40, $1.000000000e+00;
	v40 =	vadd.f32 v18, v1;
	v1 =	vld [tilespmem:$0x1FFC0]  }
0xa4: {  	v20 =	vmax.f32 v20, $0.0e+00;
	v62 =	vadd.f32 $3.511021300e-06, v62;
	v47 =	vadd.f32 $1.000000000e+00, v60  }
0xa5: {  	v31 =	vmin.f32 v35, $1.000000000e+00;
	v60 =	vadd.f32 $3.511021300e-06, v6;
	v53 =	vadd.f32 $3.511021300e-06, v53  }
0xa6: {  	v49 =	vadd.f32 $1.000000000e+00, v23;
	v45 =	vadd.f32 $1.000000000e+00, v61;
	v23 =	vmin.f32 v56, $1.000000000e+00  }
0xa7: {  	v32 =	vmin.f32 v39, $1.000000000e+00;
	v39 =	vmin.f32 v59, $1.000000000e+00;
	v59 =	vadd.f32 $3.511021300e-06, v7  }
0xa8: {  	v35 =	vmin.f32 v49, $1.000000000e+00;
	v49 =	vadd.f32 v17, v1;
	v1 =	vimm.f32 $0.0e+00  }
0xa9: {  	v56 =	vadd.f32 $3.511021300e-06, v54;
	v54 =	vadd.f32 $3.511021300e-06, v44;
	[tilespmem:$0x1FFD0] =	vst v1;
	v1 =	vimm.f32 $0.0e+00  }
0xaa: {  	v44 =	vmin.f32 v34, $1.000000000e+00;
	v34 =	vmin.f32 v50, $1.000000000e+00;
	[tilespmem:$0x1FFE0] =	vst v1;
	v1 =	vimm.f32 $0.0e+00  }
0xab: {  	s16 =	simm.s32 $0x8300;
	s15 =	simm.s32 $0x0;
	v61 =	vadd.f32 $3.511021300e-06, v5;
	v21 =	vmin.f32 v57, $1.000000000e+00;
	v57 =	vadd.f32 $3.511021300e-06, v8;
	[tilespmem:$0x1FFF0] =	vst v1  }
.LBB2_6:
0xac: {  	v50 =	vld [tilespmem:s16+$0x60]  }
0xad: {  	v1 =	vld [tilespmem:$0x1FF00]  }
0xae: {  	v22 =	vadd.f32 v55, v22;
	v55 =	vld [tilespmem:s16+$0x0]  }
0xaf: {  	v5 =	vld [tilespmem:$0x1FF30]  }
0xb0: {  	v6 =	vld [tilespmem:$0x1FF80]  }
0xb1: {  	v20 =	vadd.f32 v56, v20;
	v56 =	vld [tilespmem:s16+$0x50]  }
0xb2: {  	s14 =	sadd.s32 $0x200, s14;
	v27 =	vadd.f32 v53, v27;
	v53 =	vld [tilespmem:s16+$0x10]  }
0xb3: {  	v8 =	vld [tilespmem:s14+$0x50]  }
0xb4: {  	v3 =	vadd.f32 v59, v2;
	v2 =	vld [tilespmem:$0x1FF20]  }
0xb5: {  	v47 =	vmin.f32 v47, $1.000000000e+00;
	v1 =	vadd.f32 v61, v1;
	v61 =	vld [tilespmem:$0x1FF40]  }
0xb6: {  	v14 =	vadd.f32 v58, v9;
	v58 =	vmul.f32 v63, v21;
	v24 =	vadd.f32 v54, v24;
	v63 =	vld [tilespmem:$0x1FF50]  }
0xb7: {  	v46 =	vmin.f32 v46, $1.000000000e+00;
	v52 =	vmul.f32 v52, v23;
	v51 =	vmul.f32 v51, v32;
	v9 =	vld [tilespmem:s14+$0x70]  }
0xb8: {  	v29 =	vadd.f32 v48, v29;
	v7 =	vld [tilespmem:s14+$0x60];
	v11 =	vmul.f32 v24, v35;
	v16 =	vmax.f32 v8, $0.0e+00  }
0xb9: {  	v45 =	vmin.f32 v45, $1.000000000e+00;
	v3 =	vmul.f32 v3, v42;
	v1 =	vmul.f32 v1, v41;
	[tilespmem:$0x1FEF0] =	vst v16;
	v16 =	vld [tilespmem:$0x1FFE0]  }
0xba: {  	v10 =	vmul.f32 v29, v45;
	v4 =	vadd.f32 v57, v2;
	v2 =	vld [tilespmem:$0x1FF10];
	v51 =	vsub.f32 v51, v61  }
0xbb: {  	v61 =	vsub.f32 v1, v12;
	v1 =	vmul.f32 v22, v47;
	v22 =	vsub.f32 v3, v6;
	v3 =	vld [tilespmem:$0x1FF90]  }
0xbc: {  	v25 =	vadd.f32 v62, v25;
	v62 =	vld [tilespmem:$0x1FF70];
	v12 =	vsub.f32 v11, v26;
	v11 =	vmax.f32 v9, $0.0e+00  }
0xbd: {  	v14 =	vmul.f32 v14, v0;
	v52 =	vsub.f32 v52, v5;
	v5 =	vld [tilespmem:s14+$0x40];
	[tilespmem:$0x1FEC0] =	vst v11;
	v11 =	vsub.f32 v10, v38  }
0xbe: {  	v58 =	vsub.f32 v58, v63;
	v63 =	vld [tilespmem:$0x1FF60];
	v4 =	vmul.f32 v4, v44;
	v1 =	vsub.f32 v1, v28  }
0xbf: {  	v25 =	vmul.f32 v25, v33;
	v6 =	vld [tilespmem:s14+$0x20];
	v16 =	vadd.f32 v11, v16;
	v2 =	vadd.f32 v60, v2  }
0xc0: {  	v49 =	vmul.f32 v49, v31;
	v11 =	vld [tilespmem:$0x1FFF0];
	v3 =	vsub.f32 v4, v3;
	v4 =	vsub.f32 v14, v15  }
0xc1: {  	v40 =	vmul.f32 v40, v39;
	v26 =	vld [tilespmem:s14+$0xFFFFFF70];
	v15 =	vsub.f32 v25, v30;
	v16 =	vadd.f32 v1, v16  }
0xc2: {  	v20 =	vmul.f32 v20, v34;
	v49 =	vsub.f32 v49, v62;
	v10 =	vld [tilespmem:s14+$0x30];
	v2 =	vmul.f32 v2, v43  }
0xc3: {  	v48 =	vld [tilespmem:s16+$0xFFFFFF60];
	v24 =	vsub.f32 v40, v63;
	v40 =	vmax.f32 v7, $0.0e+00;
	v16 =	vadd.f32 v15, v16  }
0xc4: {  	v57 =	vld [tilespmem:s16+$0x40];
	v62 =	vsub.f32 v2, v13;
	v2 =	vmul.f32 v27, v46;
	v13 =	vmax.f32 v5, $0.0e+00  }
0xc5: {  	v14 =	vsub.f32 v20, v19;
	v1 =	vmax.f32 v6, $0.0e+00;
	v17 =	vadd.f32 v45, v11;
	[tilespmem:$0x1FEB0] =	vst v13;
	v13 =	vld [tilespmem:$0x1FFD0]  }
0xc6: {  	[tilespmem:$0x1FEA0] =	vst v40;
	v11 =	vcvt.s32.f32 v50;
	v50 =	vld [tilespmem:s14+$0xFFFFFF50];
	v4 =	vadd.f32 v4, v16;
	v2 =	vsub.f32 v2, v37  }
0xc7: {  	v40 =	vmax.f32 v26, $0.0e+00;
	[tilespmem:$0x1FEE0] =	vst v1;
	v1 =	vmax.f32 v10, $0.0e+00;
	v27 =	vld [tilespmem:s16+$0xFFFFFF70];
	v17 =	vadd.f32 v47, v17  }
0xc8: {  	v59 =	vld [tilespmem:s16+$0x70];
	v45 =	vcvt.s32.f32 v48;
	v4 =	vadd.f32 v62, v4;
	v2 =	vadd.f32 v2, v36  }
0xc9: {  	v15 =	vld [tilespmem:s14+$0xFFFFFF60];
	v62 =	vand.u32 $0x7FFFFFFF, v9;
	v17 =	vadd.f32 v33, v17;
	v33 =	vcvt.s32.f32 v57  }
0xca: {  	v47 =	vld [tilespmem:s14+$0xFFFFFF40];
	v36 =	vand.u32 $0x7FFFFFFF, v10;
	v13 =	vadd.f32 v46, v13;
	v2 =	vadd.f32 v12, v2  }
0xcb: {  	v19 =	vld [tilespmem:s16+$0xFFFFFF40];
	v25 =	vmax.f32 v50, $0.0e+00;
	v0 =	vadd.f32 v0, v17;
	v17 =	vadd.f32 v61, v4  }
0xcc: {  	v12 =	vld [tilespmem:s14+$0x0];
	v46 =	vcvt.s32.f32 v27;
	v18 =	vadd.f32 v35, v13;
	v2 =	vadd.f32 v14, v2  }
0xcd: {  	v30 =	vld [tilespmem:s16+$0xFFFFFF20];
	v35 =	vcvt.s32.f32 v59;
	v0 =	vadd.f32 v43, v0;
	v17 =	vadd.f32 v49, v17  }
0xce: {  	v13 =	vld [tilespmem:s14+$0x10];
	v43 =	vcvt.s32.f32 v53;
	v53 =	vand.u32 $0x7FFFFFFF, v15;
	v59 =	vsub.f32 $0.0e+00, v62  }
0xcf: {  	v20 =	vmax.f32 v47, $0.0e+00;
	v49 =	vld [tilespmem:s14+$0xFFFFFF10];
	v53 =	vsub.f32 $0.0e+00, v53;
	v14 =	vadd.f32 v34, v18  }
0xd0: {  	v2 =	vadd.f32 v3, v2;
	v34 =	vcvt.s32.f32 v56;
	v0 =	vadd.f32 v41, v0  }
0xd1: {  	v60 =	vld [tilespmem:s16+$0x20];
	[tilespmem:$0x1FF00] =	vst v1;
	v41 =	vcvt.s32.f32 v55;
	v1 =	vmax.f32 v12, $0.0e+00;
	v14 =	vadd.f32 v44, v14  }
0xd2: {  	v63 =	vld [tilespmem:s16+$0xFFFFFF00];
	v38 =	vand.u32 $0x7FFFFFFF, v12;
	v16 =	vadd.f32 v22, v2;
	v0 =	vadd.f32 v31, v0  }
0xd3: {  	v44 =	vcvt.s32.f32 v19;
	v31 =	vcvt.s32.f32 v30;
	v19 =	vand.u32 $0x7FFFFFFF, v7  }
0xd4: {  	v56 =	vld [tilespmem:s14+$0xFFFFFF20];
	[tilespmem:$0x1FED0] =	vst v1;
	v30 =	vand.u32 $0x7FFFFFFF, v8;
	v1 =	vmax.f32 v13, $0.0e+00;
	v29 =	vmax.f32 v49, $0.0e+00  }
0xd5: {  	v54 =	vld [tilespmem:s16+$0x30];
	v4 =	vand.u32 $0x7FFFFFFF, v13;
	v57 =	vsub.f32 $0.0e+00, v19;
	v19 =	vand.u32 $0x7FFFFFFF, v26  }
0xd6: {  	v61 =	vld [tilespmem:s16+$0xFFFFFF10];
	v14 =	vadd.f32 v42, v14;
	v42 =	vcvt.s32.f32 v60;
	v16 =	vadd.f32 v24, v16  }
0xd7: {  	[tilespmem:$0x1FF10] =	vst v1;
	v1 =	vmax.f32 v15, $0.0e+00;
	v0 =	vadd.f32 v21, v0;
	v21 =	vcvt.s32.f32 v63  }
0xd8: {  	v28 =	vld [tilespmem:s16+$0xFFFFFF50];
	v63 =	vand.u32 $0x7FFFFFFF, v6;
	v60 =	vsub.f32 $0.0e+00, v30;
	v30 =	vand.u32 $0x7FFFFFFF, v50  }
0xd9: {  	v37 =	vld [tilespmem:s16+$0xFFFFFF30];
	v55 =	vsub.f32 $0.0e+00, v4;
	v24 =	vmax.f32 v56, $0.0e+00;
	v48 =	vsub.f32 $0.0e+00, v63  }
0xda: {  	v14 =	vadd.f32 v39, v14;
	v39 =	vcvt.s32.f32 v54;
	v54 =	vld [tilespmem:s14+$0xFFFFFF30];
	v16 =	vadd.f32 v51, v16  }
0xdb: {  	v63 =	vsub.f32 $0.0e+00, v19;
	v51 =	vld [tilespmem:s14+$0xFFFFFF00];
	[tilespmem:$0x1FFF0] =	vst v0;
	v0 =	vcvt.s32.f32 v61;
	v61 =	vsub.f32 $0.0e+00, v38  }
0xdc: {  	[tilespmem:$0x1FF20] =	vst v1;
	v38 =	vmax.f32 v41, $0.0e+00;
	v18 =	vadd.f32 v32, v14;
	v1 =	vadd.f32 v52, v16  }
0xdd: {  	v32 =	vcvt.s32.f32 v28;
	v28 =	vand.u32 $0x7FFFFFFF, v5;
	v52 =	vsub.f32 $0.0e+00, v36  }
0xde: {  	v14 =	vmax.f32 v42, $0.0e+00;
	v16 =	vmax.f32 v39, $0.0e+00;
	[tilespmem:$0x1FE90] =	vst v1;
	v1 =	vadd.f32 v23, v18  }
0xdf: {  	v23 =	vcvt.s32.f32 v37;
	v37 =	vand.u32 $0x7FFFFFFF, v56;
	v18 =	vmax.f32 v43, $0.0e+00  }
0xe0: {  	v22 =	vmax.f32 v54, $0.0e+00;
	v27 =	vmax.f32 v51, $0.0e+00;
	v4 =	vand.u32 $0x7FFFFFFF, v54  }
0xe1: {  	v19 =	vand.u32 $0x7FFFFFFF, v51;
	v36 =	vsub.f32 $0.0e+00, v37;
	v13 =	vmul.f32 v18, v13  }
0xe2: {  	v37 =	vmax.f32 v34, $0.0e+00;
	v18 =	vmul.f32 $1.442695020e+00, v59;
	v59 =	vmul.f32 $1.442695020e+00, v61  }
0xe3: {  	v61 =	vmul.f32 $1.442695020e+00, v53;
	[tilespmem:$0x1FFD0] =	vst v1;
	v1 =	vadd.f32 v58, v17;
	v58 =	vsub.f32 $0.0e+00, v28  }
0xe4: {  	v28 =	vand.u32 $0x7FFFFFFF, v47;
	v2 =	vsub.f32 $0.0e+00, v19;
	v19 =	vand.u32 $0x7FFFFFFF, v49  }
0xe5: {  	v3 =	vsub.f32 $0.0e+00, v4;
	v17 =	vmax.f32 v45, $0.0e+00;
	v37 =	vmul.f32 v37, v8  }
0xe6: {  	v62 =	vsub.f32 $0.0e+00, v28;
	v4 =	vsub.f32 $0.0e+00, v19;
	v19 =	vmax.f32 v11, $0.0e+00  }
0xe7: {  	v28 =	vmax.f32 v35, $0.0e+00;
	v11 =	vadd.f32 $1.000000000e+00, v11;
	[tilespmem:$0x1FFE0] =	vst v1;
	v1 =	vsub.f32 $0.0e+00, v30  }
0xe8: {  	v30 =	vmax.f32 v33, $0.0e+00;
	v7 =	vmul.f32 v19, v7;
	v19 =	vmax.f32 v44, $0.0e+00  }
0xe9: {  	[tilespmem:$0x1FF70] =	vst v37;
	v37 =	vmul.f32 v38, v12;
	v12 =	vmul.f32 v16, v10;
	v16 =	vmax.f32 v31, $0.0e+00  }
0xea: {  	v38 =	vmul.f32 v17, v15;
	v17 =	vmax.f32 v23, $0.0e+00;
	v3 =	vmul.f32 $1.442695020e+00, v3  }
0xeb: {  	v5 =	vmul.f32 v30, v5;
	v19 =	vmul.f32 v19, v47;
	v47 =	vmax.f32 v21, $0.0e+00;
	[tilespmem:$0x1FF30] =	vst v7  }
0xec: {  	v2 =	vmul.f32 $1.442695020e+00, v2;
	v7 =	vmax.f32 v46, $0.0e+00;
	[tilespmem:$0x1FF80] =	vst v37;
	v37 =	vmul.f32 v47, v51  }
0xed: {  	v51 =	vmax.f32 v0, $0.0e+00;
	v1 =	vmul.f32 $1.442695020e+00, v1;
	[tilespmem:$0x1FF40] =	vst v5;
	v5 =	vmul.f32 v28, v9  }
0xee: {  	v47 =	vadd.f32 $1.000000000e+00, v23;
	v15 =	vmul.f32 v7, v26;
	v26 =	vmul.f32 v16, v56  }
0xef: {  	[tilespmem:$0x1FF90] =	vst v38;
	v23 =	vmin.f32 v11, $1.000000000e+00;
	v28 =	vmul.f32 v17, v54;
	v38 =	vmul.f32 v51, v49  }
0xf0: {  	v54 =	vmul.f32 $1.442695020e+00, v57;
	v16 =	vadd.f32 $1.000000000e+00, v33;
	v17 =	vmul.f32 $1.442695020e+00, v58  }
0xf1: {  	v33 =	vadd.f32 $1.000000000e+00, v34;
	v56 =	vmul.f32 $1.442695020e+00, v60;
	v57 =	vmul.f32 $1.442695020e+00, v48  }
0xf2: {  	v7 =	vadd.f32 $1.000000000e+00, v42;
	v58 =	vmul.f32 $1.442695020e+00, v52;
	(erf) = vpow2.f32 v54  }
0xf3: {  	v34 =	vadd.f32 $1.000000000e+00, v43;
	v60 =	vmul.f32 $1.442695020e+00, v55;
	(erf) = vpow2.f32 v18  }
0xf4: {  	v48 =	vadd.f32 $1.000000000e+00, v46;
	v49 =	vadd.f32 $1.000000000e+00, v44;
	(erf) = vpow2.f32 v17  }
0xf5: {  	v51 =	vadd.f32 $1.000000000e+00, v32;
	v46 =	vadd.f32 $1.000000000e+00, v21;
	(erf) = vpow2.f32 v56  }
0xf6: {  	[tilespmem:$0x1FF50] =	vst v5;
	v5 =	vmul.f32 v14, v6;
	v14 =	vmax.f32 v32, $0.0e+00;
	(erf) = vpow2.f32 v57  }
0xf7: {  	v6 =	vmul.f32 $1.442695020e+00, v62;
	v32 =	vmin.f32 v16, $1.000000000e+00;
	(erf) = vpow2.f32 v58  }
0xf8: {  	v43 =	vmin.f32 v34, $1.000000000e+00;
	v30 =	vmul.f32 v14, v50;
	(erf) = vpow2.f32 v59  }
0xf9: {  	v14 =	vadd.f32 $1.000000000e+00, v35;
	[tilespmem:$0x1FF60] =	vst v5;
	v5 =	vmul.f32 $1.442695020e+00, v63;
	(erf) = vpow2.f32 v60  }
0xfa: {  	v18 =	vadd.f32 $1.000000000e+00, v39;
	v35 =	vadd.f32 $1.000000000e+00, v45;
	(erf) = vpow2.f32 v61  }
0xfb: {  	v50 =	vadd.f32 $1.000000000e+00, v31;
	v31 =	vmul.f32 $1.442695020e+00, v36;
	(erf) = vpow2.f32 v5  }
0xfc: {  	v45 =	vadd.f32 $1.000000000e+00, v0;
	v0 =	vmul.f32 $1.442695020e+00, v4;
	v52 =	vpop (erf);
	(erf) = vpow2.f32 v6  }
0xfd: {  	v39 =	vmin.f32 v7, $1.000000000e+00;
	v17 =	vadd.f32 $1.000000000e+00, v41;
	v53 =	vpop (erf);
	(erf) = vpow2.f32 v1  }
0xfe: {  	v21 =	vmin.f32 v14, $1.000000000e+00;
	v41 =	vmin.f32 v18, $1.000000000e+00;
	v54 =	vpop (erf);
	(erf) = vpow2.f32 v31  }
0xff: {  	v44 =	vmin.f32 v35, $1.000000000e+00;
	v1 =	vmul.f32 $1.720779950e-02, v52;
	v55 =	vpop (erf);
	(erf) = vpow2.f32 v3  }
0x100: {  	v31 =	vmin.f32 v33, $1.000000000e+00;
	v56 =	vpop (erf);
	v33 =	vmul.f32 $1.720779950e-02, v55;
	(erf) = vpow2.f32 v2  }
0x101: {  	v1 =	vsub.f32 $8.172564210e-02, v1;
	v2 =	vmul.f32 $1.720779950e-02, v53;
	v3 =	vmul.f32 $1.720779950e-02, v56  }
0x102: {  	v42 =	vmin.f32 v17, $1.000000000e+00;
	v57 =	vpop (erf);
	(erf) = vpow2.f32 v0;
	v0 =	vmul.f32 $1.720779950e-02, v54  }
0x103: {  	v58 =	vpop (erf);
	v11 =	vmul.f32 $1.720779950e-02, v57;
	v4 =	vsub.f32 $8.172564210e-02, v33;
	v1 =	vmul.f32 v1, v52  }
0x104: {  	v59 =	vpop (erf);
	v7 =	vmul.f32 $1.720779950e-02, v58;
	v2 =	vsub.f32 $8.172564210e-02, v2;
	v3 =	vsub.f32 $8.172564210e-02, v3  }
0x105: {  	v60 =	vpop (erf);
	v16 =	vmul.f32 $1.720779950e-02, v59;
	v6 =	vsub.f32 $8.172564210e-02, v0;
	v11 =	vsub.f32 $8.172564210e-02, v11  }
0x106: {  	v4 =	vmul.f32 v4, v55;
	v1 =	vadd.f32 $-1.887808290e-01, v1;
	v14 =	vmul.f32 $1.720779950e-02, v60  }
0x107: {  	v61 =	vpop (erf);
	v7 =	vsub.f32 $8.172564210e-02, v7;
	v2 =	vmul.f32 v2, v53;
	v3 =	vmul.f32 v3, v56  }
0x108: {  	v18 =	vmul.f32 $1.720779950e-02, v61;
	v16 =	vsub.f32 $8.172564210e-02, v16;
	v6 =	vmul.f32 v6, v54  }
0x109: {  	v62 =	vpop (erf);
	v11 =	vmul.f32 v11, v57;
	v4 =	vadd.f32 $-1.887808290e-01, v4;
	v1 =	vmul.f32 v1, v52  }
0x10a: {  	v17 =	vmul.f32 $1.720779950e-02, v62;
	v63 =	vpop (erf);
	v14 =	vsub.f32 $8.172564210e-02, v14;
	v7 =	vmul.f32 v7, v58  }
0x10b: {  	v2 =	vadd.f32 $-1.887808290e-01, v2;
	v3 =	vadd.f32 $-1.887808290e-01, v3;
	v36 =	vmul.f32 $1.720779950e-02, v63  }
0x10c: {  	v18 =	vsub.f32 $8.172564210e-02, v18;
	v16 =	vmul.f32 v16, v59;
	v6 =	vadd.f32 $-1.887808290e-01, v6  }
0x10d: {  	v0 =	vpop (erf);
	v11 =	vadd.f32 $-1.887808290e-01, v11;
	v4 =	vmul.f32 v4, v55;
	v1 =	vadd.f32 $3.145891730e-01, v1  }
0x10e: {  	v8 =	vmul.f32 $1.720779950e-02, v0;
	v17 =	vsub.f32 $8.172564210e-02, v17;
	v14 =	vmul.f32 v14, v60  }
0x10f: {  	v33 =	vpop (erf);
	v7 =	vadd.f32 $-1.887808290e-01, v7;
	v2 =	vmul.f32 v2, v53;
	v3 =	vmul.f32 v3, v56  }
0x110: {  	v9 =	vmul.f32 $1.720779950e-02, v33;
	v36 =	vsub.f32 $8.172564210e-02, v36;
	v18 =	vmul.f32 v18, v61  }
0x111: {  	v34 =	vpop (erf);
	v16 =	vadd.f32 $-1.887808290e-01, v16;
	v6 =	vmul.f32 v6, v54;
	v11 =	vmul.f32 v11, v57  }
0x112: {  	v4 =	vadd.f32 $3.145891730e-01, v4;
	v1 =	vmul.f32 v1, v52;
	v10 =	vmul.f32 $1.720779950e-02, v34  }
0x113: {  	v8 =	vsub.f32 $8.172564210e-02, v8;
	v17 =	vmul.f32 v17, v62;
	v14 =	vadd.f32 $-1.887808290e-01, v14  }
0x114: {  	v35 =	vpop (erf);
	v7 =	vmul.f32 v7, v58;
	v2 =	vadd.f32 $3.145891730e-01, v2;
	v3 =	vadd.f32 $3.145891730e-01, v3  }
0x115: {  	v5 =	vmul.f32 $1.720779950e-02, v35;
	v9 =	vsub.f32 $8.172564210e-02, v9;
	v36 =	vmul.f32 v36, v63  }
0x116: {  	v18 =	vadd.f32 $-1.887808290e-01, v18;
	v16 =	vmul.f32 v16, v59;
	v6 =	vadd.f32 $3.145891730e-01, v6  }
0x117: {  	v11 =	vadd.f32 $3.145891730e-01, v11;
	v4 =	vmul.f32 v4, v55;
	v1 =	vadd.f32 $-4.969774190e-01, v1  }
0x118: {  	v10 =	vsub.f32 $8.172564210e-02, v10;
	v8 =	vmul.f32 v8, v0;
	v17 =	vadd.f32 $-1.887808290e-01, v17  }
0x119: {  	v14 =	vmul.f32 v14, v60;
	v7 =	vadd.f32 $3.145891730e-01, v7;
	v2 =	vmul.f32 v2, v53  }
0x11a: {  	v3 =	vmul.f32 v3, v56;
	v5 =	vsub.f32 $8.172564210e-02, v5;
	v9 =	vmul.f32 v9, v33  }
0x11b: {  	v36 =	vadd.f32 $-1.887808290e-01, v36;
	v18 =	vmul.f32 v18, v61;
	v16 =	vadd.f32 $3.145891730e-01, v16  }
0x11c: {  	v6 =	vmul.f32 v6, v54;
	v11 =	vmul.f32 v11, v57;
	v4 =	vadd.f32 $-4.969774190e-01, v4  }
0x11d: {  	v1 =	vmul.f32 v1, v52;
	v10 =	vmul.f32 v10, v34;
	v8 =	vadd.f32 $-1.887808290e-01, v8  }
0x11e: {  	v17 =	vmul.f32 v17, v62;
	v14 =	vadd.f32 $3.145891730e-01, v14;
	v36 =	vmul.f32 v36, v63  }
0x11f: {  	v7 =	vmul.f32 v7, v58;
	v2 =	vadd.f32 $-4.969774190e-01, v2;
	v3 =	vadd.f32 $-4.969774190e-01, v3  }
0x120: {  	v5 =	vmul.f32 v5, v35;
	v9 =	vadd.f32 $-1.887808290e-01, v9;
	v36 =	vadd.f32 $3.145891730e-01, v36  }
0x121: {  	v18 =	vadd.f32 $3.145891730e-01, v18;
	v16 =	vmul.f32 v16, v59;
	v6 =	vadd.f32 $-4.969774190e-01, v6  }
0x122: {  	v11 =	vadd.f32 $-4.969774190e-01, v11;
	v4 =	vmul.f32 v4, v55;
	v36 =	vmul.f32 v36, v63  }
0x123: {  	v1 =	vadd.f32 $9.997923370e-01, v1;
	v10 =	vadd.f32 $-1.887808290e-01, v10;
	v8 =	vmul.f32 v8, v0  }
0x124: {  	v17 =	vadd.f32 $3.145891730e-01, v17;
	v14 =	vmul.f32 v14, v60;
	v36 =	vadd.f32 $-4.969774190e-01, v36  }
0x125: {  	v7 =	vadd.f32 $-4.969774190e-01, v7;
	v2 =	vmul.f32 v2, v53;
	v3 =	vmul.f32 v3, v56  }
0x126: {  	v5 =	vadd.f32 $-1.887808290e-01, v5;
	v9 =	vmul.f32 v9, v33;
	v36 =	vmul.f32 v36, v63  }
0x127: {  	v18 =	vmul.f32 v18, v61;
	v16 =	vadd.f32 $-4.969774190e-01, v16;
	v6 =	vmul.f32 v6, v54  }
0x128: {  	v11 =	vmul.f32 v11, v57;
	v9 =	vadd.f32 $3.145891730e-01, v9;
	v36 =	vadd.f32 $9.997923370e-01, v36  }
0x129: {  	v4 =	vadd.f32 $9.997923370e-01, v4;
	v1 =	vmul.f32 v1, v52;
	v10 =	vmul.f32 v10, v34  }
0x12a: {  	v8 =	vadd.f32 $3.145891730e-01, v8;
	v9 =	vmul.f32 v9, v33;
	v36 =	vmul.f32 v36, v63;
	v63 =	vld [tilespmem:$0x1FEA0]  }
0x12b: {  	v17 =	vmul.f32 v17, v62;
	v14 =	vadd.f32 $-4.969774190e-01, v14;
	v2 =	vadd.f32 $9.997923370e-01, v2  }
0x12c: {  	v7 =	vmul.f32 v7, v58;
	v3 =	vadd.f32 $9.997923370e-01, v3;
	v9 =	vadd.f32 $-4.969774190e-01, v9  }
0x12d: {  	v5 =	vmul.f32 v5, v35;
	v18 =	vadd.f32 $-4.969774190e-01, v18;
	v1 =	vadd.f32 $3.511021300e-06, v1  }
0x12e: {  	v16 =	vmul.f32 v16, v59;
	v6 =	vadd.f32 $9.997923370e-01, v6;
	v9 =	vmul.f32 v9, v33  }
0x12f: {  	v11 =	vadd.f32 $9.997923370e-01, v11;
	v4 =	vmul.f32 v4, v55;
	v52 =	vadd.f32 v1, v63;
	v1 =	vld [tilespmem:$0x1FEB0]  }
0x130: {  	v10 =	vadd.f32 $3.145891730e-01, v10;
	v6 =	vmul.f32 v6, v54;
	v9 =	vadd.f32 $9.997923370e-01, v9  }
0x131: {  	v8 =	vmul.f32 v8, v0;
	v17 =	vadd.f32 $-4.969774190e-01, v17;
	v14 =	vmul.f32 v14, v60  }
0x132: {  	v7 =	vadd.f32 $9.997923370e-01, v7;
	v6 =	vadd.f32 $3.511021300e-06, v6;
	v33 =	vmul.f32 v9, v33  }
0x133: {  	v2 =	vmul.f32 v2, v53;
	v3 =	vmul.f32 v3, v56;
	v5 =	vadd.f32 $3.145891730e-01, v5  }
0x134: {  	v55 =	vadd.f32 $3.511021300e-06, v33;
	v33 =	vmin.f32 v51, $1.000000000e+00;
	v51 =	vadd.f32 v6, v1;
	v1 =	vld [tilespmem:$0x1FEC0]  }
0x135: {  	v18 =	vmul.f32 v18, v61;
	v16 =	vadd.f32 $9.997923370e-01, v16;
	v11 =	vmul.f32 v11, v57  }
0x136: {  	v4 =	vadd.f32 $3.511021300e-06, v4;
	v10 =	vmul.f32 v10, v34;
	v8 =	vadd.f32 $-4.969774190e-01, v8  }
0x137: {  	v17 =	vmul.f32 v17, v62;
	v14 =	vadd.f32 $9.997923370e-01, v14;
	v2 =	vadd.f32 $3.511021300e-06, v2  }
0x138: {  	v7 =	vmul.f32 v7, v58;
	v3 =	vadd.f32 $3.511021300e-06, v3;
	v5 =	vmul.f32 v5, v35  }
0x139: {  	v18 =	vadd.f32 $9.997923370e-01, v18;
	v16 =	vmul.f32 v16, v59;
	v63 =	vadd.f32 v2, v1;
	v1 =	vld [tilespmem:$0x1FEE0]  }
0x13a: {  	v10 =	vadd.f32 $-4.969774190e-01, v10;
	v8 =	vmul.f32 v8, v0;
	v17 =	vadd.f32 $9.997923370e-01, v17  }
0x13b: {  	v14 =	vmul.f32 v14, v60;
	v59 =	vadd.f32 $3.511021300e-06, v7;
	v5 =	vadd.f32 $-4.969774190e-01, v5  }
0x13c: {  	v18 =	vmul.f32 v18, v61;
	v61 =	vadd.f32 $3.511021300e-06, v11;
	v10 =	vmul.f32 v10, v34  }
0x13d: {  	s15 =	sadd.s32 $0x8, s15;
	v60 =	vadd.f32 $3.511021300e-06, v16;
	v8 =	vadd.f32 $9.997923370e-01, v8;
	v5 =	vmul.f32 v5, v35  }
0x13e: {  	p0 =	slt.u32 s15, $0x1F8;
	v17 =	vmul.f32 v17, v62;
	v10 =	vadd.f32 $9.997923370e-01, v10;
	v9 =	vmovc v40;
	v40 =	vadd.f32 v3, v1;
	v1 =	vld [tilespmem:$0x1FEF0]  }
.Ltmp2:
0x13f: {  	v57 =	vadd.f32 $3.511021300e-06, v14;
	v0 =	vmul.f32 v8, v0;
	v5 =	vadd.f32 $9.997923370e-01, v5;
	(pc) =	sbr.rel @p0 .LBB2_6-.Ltmp2, $4  }
0x140: {  	v58 =	vadd.f32 $3.511021300e-06, v18;
	v56 =	vadd.f32 $3.511021300e-06, v17;
	v8 =	vmul.f32 v10, v34  }
0x141: {  	v62 =	vadd.f32 $3.511021300e-06, v36;
	v54 =	vadd.f32 $3.511021300e-06, v0;
	v5 =	vmul.f32 v5, v35  }
0x142: {  	v36 =	vld [tilespmem:$0x1FE90];
	v0 =	vmin.f32 v48, $1.000000000e+00;
	v34 =	vmin.f32 v49, $1.000000000e+00;
	v53 =	vadd.f32 $3.511021300e-06, v8  }
0x143: {  	s16 =	sadd.s32 $0x200, s16;
	v35 =	vmin.f32 v50, $1.000000000e+00;
	v48 =	vadd.f32 $3.511021300e-06, v5;
	v2 =	vld [tilespmem:$0x1FED0];
	v49 =	vadd.f32 v4, v1  }
0x144: {  	v1 =	vmin.f32 v47, $1.000000000e+00;
	v3 =	vld [tilespmem:$0x1FF00];
	v4 =	vmin.f32 v46, $1.000000000e+00;
	v8 =	vadd.f32 v56, v20  }
0x145: {  	v5 =	vld [tilespmem:$0x1FF20];
	v7 =	vmin.f32 v45, $1.000000000e+00;
	v9 =	vadd.f32 v58, v9;
	v10 =	vadd.f32 v62, v25  }
0x146: {  	v6 =	vld [tilespmem:$0x1FF10];
	v14 =	vmul.f32 v63, v21;
	v16 =	vadd.f32 v54, v24;
	v62 =	vadd.f32 v53, v27  }
0x147: {  	v45 =	vld [tilespmem:$0x1FF50];
	v63 =	vadd.f32 v48, v29;
	v9 =	vmul.f32 v9, v0;
	v8 =	vmul.f32 v8, v34  }
0x148: {  	v46 =	vld [tilespmem:$0x1FF40];
	v10 =	vmul.f32 v10, v33;
	v16 =	vmul.f32 v16, v35;
	v2 =	vadd.f32 v59, v2  }
0x149: {  	v11 =	vmul.f32 v52, v23;
	v56 =	vld [tilespmem:$0x1FFF0];
	v9 =	vsub.f32 v9, v15;
	v8 =	vsub.f32 v8, v19  }
0x14a: {  	v17 =	vmul.f32 v51, v32;
	v47 =	vld [tilespmem:$0x1FF70];
	v10 =	vsub.f32 v10, v30;
	v16 =	vsub.f32 v16, v26  }
0x14b: {  	v18 =	vmul.f32 v49, v31;
	v48 =	vld [tilespmem:$0x1FF60];
	v3 =	vadd.f32 v61, v3;
	v5 =	vadd.f32 v57, v5  }
0x14c: {  	v49 =	vld [tilespmem:$0x1FF80];
	v52 =	vmul.f32 v63, v7;
	v6 =	vadd.f32 v60, v6;
	v60 =	vadd.f32 v55, v22  }
0x14d: {  	v51 =	vld [tilespmem:$0x1FF90];
	v61 =	vmul.f32 v40, v39;
	v14 =	vsub.f32 v14, v45;
	v17 =	vsub.f32 v17, v46  }
0x14e: {  	v7 =	vadd.f32 v7, v56;
	v2 =	vmul.f32 v2, v42;
	v3 =	vmul.f32 v3, v41  }
0x14f: {  	v18 =	vsub.f32 v18, v47;
	v55 =	vld [tilespmem:$0x1FFD0];
	v6 =	vmul.f32 v6, v43;
	v5 =	vmul.f32 v5, v44  }
0x150: {  	v54 =	vld [tilespmem:$0x1FFE0];
	v22 =	vsub.f32 v61, v48;
	v53 =	vmul.f32 v60, v1;
	v1 =	vadd.f32 v1, v7  }
0x151: {  	v50 =	vmul.f32 v62, v4;
	v2 =	vsub.f32 v2, v49;
	v3 =	vsub.f32 v3, v12  }
0x152: {  	v6 =	vsub.f32 v6, v13;
	v5 =	vsub.f32 v5, v51  }
0x153: {  	v40 =	vld [tilespmem:$0x1FF30];
	v12 =	vsub.f32 v50, v37;
	v13 =	vsub.f32 v52, v38  }
0x154: {  	v15 =	vsub.f32 v53, v28;
	v4 =	vadd.f32 v4, v55  }
0x155: {  	v12 =	vadd.f32 v12, v36;
	v13 =	vadd.f32 v13, v54  }
0x156: {  	v1 =	vadd.f32 v33, v1;
	v4 =	vadd.f32 v35, v4  }
0x157: {  	v12 =	vadd.f32 v16, v12;
	v13 =	vadd.f32 v15, v13  }
0x158: {  	v11 =	vsub.f32 v11, v40;
	v4 =	vadd.f32 v34, v4  }
0x159: {  	v57 =	vadd.f32 v8, v12;
	v58 =	vadd.f32 v10, v13  }
0x15a: {  	v60 =	vadd.f32 v0, v1;
	v4 =	vadd.f32 v44, v4  }
0x15b: {  	v5 =	vadd.f32 v5, v57;
	v59 =	vadd.f32 v9, v58  }
0x15c: {  	v0 =	vadd.f32 v43, v60;
	v4 =	vadd.f32 v42, v4  }
0x15d: {  	v61 =	vadd.f32 v2, v5;
	v62 =	vadd.f32 v6, v59  }
0x15e: {  	v0 =	vadd.f32 v41, v0;
	v63 =	vadd.f32 v39, v4  }
0x15f: {  	v1 =	vadd.f32 v22, v61;
	v2 =	vadd.f32 v3, v62  }
0x160: {  	v0 =	vadd.f32 v31, v0;
	v3 =	vadd.f32 v32, v63  }
0x161: {  	v1 =	vadd.f32 v17, v1;
	v2 =	vadd.f32 v18, v2  }
0x162: {  	v0 =	vadd.f32 v21, v0;
	v3 =	vadd.f32 v23, v3  }
0x163: {  	v1 =	vadd.f32 v11, v1;
	v2 =	vadd.f32 v14, v2  }
0x164: {  	v0 =	vadd.f32 v0, v3  }
0x165: {  	v1 =	vadd.f32 v2, v1  }
0x166: {  	[tilespmem:$0x10080] =	vst v0  }
0x167: {  	[tilespmem:$0x10000] =	vst v1  }
0x168: {  	[hbm4b:s4+s2] =	stream.linear.scatter [tilespmem:s10], [sflag:$0x3], $0x80, $0x38;
	[tilespmem:$0x10100] =	vst v63  }
0x169: {  	s13 =	sadd.s32 $0x1, s13;
	_ =	swait.ge [sflag:s11], $0x80  }
0x16a: {  	p0 =	sne.s32 s13, s7;
	[sflag:s11] =	ssyncset.done $0x0  }
.Ltmp3:
0x16b: {  	[sflag:s11] =	ssyncadd.s32 $0xFFFFFF80;
	(pc) =	sbr.rel @p0 .LBB2_1-.Ltmp3, $4  }
0x16c: {  	[hbm4b:s6+s2] =	stream.linear.scatter [tilespmem:s12], [sflag:$0x3], $0x80, $0x38;
	[tilespmem:$0x10100] =	vst v63  }
0x16d: {  	_ =	swait.ge [sflag:s11], $0x80  }
0x16e: {  	[sflag:s11] =	ssyncset.done $0x0  }
0x16f: {  	[sflag:s11] =	ssyncadd.s32 $0xFFFFFF80  }
0x170: {  	_ =	sfence.sel $0x180000  }
0x171: {  	[bflag:$0x0] =	sbarrier.arrive $0xFFFF  }
0x172: {  	p0 =	sne.s32 s1, $0x0;
	_ =	strace $0x90000047  }
0x173: {  	s0 =	sadd.s32 @!p0 $0x100000, s0;
	[bflag:$0x2] =	sbarrier.arrive $0xFFFF  }
0x174: {  	[sflag:s0] =	ssyncadd.tile.s32 @!p0 $0x1;
	_ =	shalt  }
.Lfunc_end2:
_tile_overlayer_lowered:
.L_overlay_start_2:
0x175: {  	(tag) =	ssettag $0x2  }
0x176: {  	s0 =	rddreg [dreg:$0x0];
	s2 =	stileid.u32  }
0x177: {  	s1 =	rddreg [dreg:$0x1];
	p0 =	sne.s32 s2, $0x0  }
0x178: {  	s3 =	rddreg [dreg:$0x2];
	[bflag:$0x3] =	sbarrier.arrive $0xFFFF;
	s2 =	simm.s32 @!p0 $0x1C03  }
0x179: {  	[timem:s3], [sflag:s2] =	dma.local @!p0 [hbm:s0], s1  }
0x17a: {  	s0 =	simm.s32 @!p0 $0x3  }
0x17b: {  	_ =	swait.ge @!p0 [sflag:s0], s1  }
0x17c: {  	s1 =	ssub.s32 @!p0 $0x0, s1;
	[sflag:s0] =	ssyncset.done @!p0 $0x0  }
0x17d: {  	[sflag:s0] =	ssyncadd.s32 @!p0 s1  }
0x17e: {  	[bflag:$0x3] =	sbarrier.arrive $0xFFFF  }
0x17f: {  	_ =	shalt  }

</sc_bundles>
